<compile_context>
chip_gen: v7x
topology: tpu7x:2x2x1
jax: 0.10.2.dev20260603
libtpu: 0.0.44.dev20260713+nightly
codegen_flags: <defaults>
</compile_context>

<pallas_src>
import functools

import jax
import jax.numpy as jnp
from jax import lax
from jax.experimental import pallas as pl
from jax.experimental.pallas import tpu as pltpu
from jax.experimental.pallas import tpu_sc as plsc

_NC = 2
_NS = 16
_NW = _NC * _NS

_BW = 512
_TILES = _BW // 128
_NBUF = 2
_PITCH = 17


def _emb_body(table_hbm, idx_hbm, out_hbm, idx_v, rows_v, rp_v, y_v,
              si0, si1, sg0, sg1, so0, so1):
    sem_i = (si0, si1)
    sem_g = (sg0, sg1)
    sem_o = (so0, so1)
    wid = lax.axis_index("s") * _NC + lax.axis_index("c")
    b0 = wid * _BW
    j0 = wid * _TILES
    nsteps = out_hbm.shape[0]

    def idx_copy(h, b):
        return pltpu.make_async_copy(
            idx_hbm.at[pl.ds(h * 16384 + b0, _BW)], idx_v.at[b], sem_i[b])

    def gather(b):
        return pltpu.make_async_copy(
            table_hbm.at[idx_v.at[b]], rows_v.at[b], sem_g[b])

    def out_copy(h, b, t2):
        return pltpu.make_async_copy(
            y_v.at[b, t2],
            out_hbm.at[h, t2, pl.ds(j0, _TILES), :, :],
            sem_o[b])

    def transpose(b):
        iota17 = lax.iota(jnp.int32, 16) * _PITCH

        @plsc.parallel_loop(0, _BW, 1, unroll=16)
        def _repack(t):
            rp_v[b, pl.ds(t * _PITCH, 16)] = rows_v[b, t, :]

        @plsc.parallel_loop(0, _BW, 1, unroll=16)
        def _col(i):
            d = i & 15
            tb = i >> 4
            vec = plsc.load_gather(
                rp_v.at[b], [iota17 + (tb * (16 * _PITCH) + d)])
            y_v[b, d >> 3, tb >> 3, d & 7, pl.ds((tb & 7) * 16, 16)] = vec

    for b in range(_NBUF):
        idx_copy(b, b).start()
    idx_copy(0, 0).wait()
    gather(0).start()

    def step(g2, carry):
        for k in range(_NBUF):
            h = g2 * _NBUF + k
            b = k
            b1 = 1 - k
            gather(b).wait()

            @pl.when(h + 1 < nsteps)
            def _():
                idx_copy(h + 1, b1).wait()
                gather(b1).start()

            @pl.when(h + 2 < nsteps)
            def _():
                idx_copy(h + 2, b).start()

            @pl.when(h >= _NBUF)
            def _():
                for t2 in range(2):
                    out_copy(h - _NBUF, b, t2).wait()

            transpose(b)
            for t2 in range(2):
                out_copy(h, b, t2).start()
        return carry

    lax.fori_loop(0, nsteps // _NBUF, step, 0)

    for b in range(_NBUF):
        for t2 in range(2):
            out_copy(nsteps - _NBUF + b, b, t2).wait()


_TC = 1024
_TTAIL = 1000000 % _TC
_TFULL = 1000000 // _TC


def _tp_body(tt_hbm, out_hbm, tin_v, rp_v, tout_v, sem_i, sem_o):
    wid = lax.axis_index("s") * _NC + lax.axis_index("c")
    my_n = (_TFULL - wid + _NW - 1) // _NW
    iota = lax.iota(jnp.int32, 16)
    iota17 = iota * _PITCH

    def in_copy(v0, n):
        return pltpu.make_async_copy(
            tt_hbm.at[:, pl.ds(v0, n)], tin_v.at[:, pl.ds(0, n)], sem_i)

    def out_copy(r0, n):
        return pltpu.make_async_copy(
            tout_v.at[pl.ds(0, n // 8), :],
            out_hbm.at[pl.ds(pl.multiple_of(r0, 8), n // 8), :], sem_o)

    def transpose(n):
        @plsc.parallel_loop(0, 16 * (n // 16), 1, unroll=16)
        def _repack(j):
            d = j & 15
            k = j >> 4
            vec = plsc.load_gather(
                tin_v, [jnp.full((16,), d, jnp.int32), iota + k * 16])
            plsc.store_scatter(rp_v, [iota17 + (k * 16 * _PITCH + d)], vec)

        @plsc.parallel_loop(0, n, 1, unroll=16)
        def _rows(v):
            vec = plsc.load_gather(rp_v, [iota + v * _PITCH])
            plsc.store_scatter(
                tout_v,
                [jnp.full((16,), v >> 3, jnp.int32), iota + (v & 7) * 16],
                vec)

    def step(i, carry):
        c = wid + i * _NW
        in_copy(c * _TC, _TC).start()
        in_copy(c * _TC, _TC).wait()

        @pl.when(i >= 1)
        def _():
            out_copy((wid + (i - 1) * _NW) * (_TC // 8), _TC).wait()

        transpose(_TC)
        out_copy(c * (_TC // 8), _TC).start()
        return carry

    lax.fori_loop(0, my_n, step, 0)

    @pl.when(my_n >= 1)
    def _():
        out_copy((wid + (my_n - 1) * _NW) * (_TC // 8), _TC).wait()

    @pl.when(wid == _TFULL % _NW)
    def _():
        v0 = pl.multiple_of(_TFULL * _TC + jnp.minimum(wid, 0), 128)
        in_copy(v0, 640).start()
        in_copy(v0, 640).wait()
        transpose(640)
        out_copy(_TFULL * (_TC // 8), _TTAIL).start()
        out_copy(_TFULL * (_TC // 8), _TTAIL).wait()


def _transpose_table(table):
    vocab, d = table.shape
    mesh = plsc.VectorSubcoreMesh(core_axis_name="c", subcore_axis_name="s")
    run = pl.kernel(
        _tp_body,
        mesh=mesh,
        compiler_params=pltpu.CompilerParams(use_tc_tiling_on_sc=True,
                                             needs_layout_passes=False),
        out_type=jax.ShapeDtypeStruct((vocab * d // 128, 128), jnp.float32),
        scratch_types=[
            pltpu.VMEM((16, _TC), jnp.float32),
            pltpu.VMEM((_TC * _PITCH,), jnp.float32),
            pltpu.VMEM((_TC // 8, 128), jnp.float32),
            pltpu.SemaphoreType.DMA,
            pltpu.SemaphoreType.DMA,
        ],
    )
    return run(table.T).reshape(vocab, d)


def kernel(e, table):
    batch, hist = e.shape
    vocab, d = table.shape
    assert batch == _NW * _BW and d == 16

    idx = e.T.reshape(batch * hist).astype(jnp.int32)

    mesh = plsc.VectorSubcoreMesh(core_axis_name="c", subcore_axis_name="s")
    run = pl.kernel(
        _emb_body,
        mesh=mesh,
        compiler_params=pltpu.CompilerParams(use_tc_tiling_on_sc=False,
                                             needs_layout_passes=False),
        out_type=jax.ShapeDtypeStruct((hist, 2, batch // 128, 8, 128),
                                      jnp.float32),
        scratch_types=[
            pltpu.VMEM((_NBUF, _BW), jnp.int32),
            pltpu.VMEM((_NBUF, _BW, 16), jnp.float32),
            pltpu.VMEM((_NBUF, _BW * _PITCH), jnp.float32),
            pltpu.VMEM((_NBUF, 2, _TILES, 8, 128), jnp.float32),
        ] + [pltpu.SemaphoreType.DMA] * 6,
    )
    y6 = run(_transpose_table(table), idx)
    return y6.transpose(2, 4, 0, 1, 3).reshape(batch, hist, d)

# --- scband reference (transcript-rebuilt; emitter-appended) ---
"""Pipeline reference for scband-embedder-46608985096228 (READ-ONLY COPY).

The authoritative reference and input builder live on the scoring server;
editing this copy changes nothing except your own understanding.
"""

import jax, jax.numpy as jnp
import numpy as np

VOCAB = 1000000
EMBED_DIM = 16
BATCH = 16384
HIST = 200

def setup_inputs(seed: int = 0) -> dict:
    key = jax.random.key(seed)
    k_idx, k_tab = jax.random.split(key)
    e = jax.random.randint(k_idx, (BATCH, HIST), 0, VOCAB, dtype=jnp.int64 if jax.config.jax_enable_x64 else jnp.int32)
    table = jax.random.normal(k_tab, (VOCAB, EMBED_DIM), dtype=jnp.float32)
    return {"e": e, "table": table}

def reference(e, table):
    # nn.Embedding lookup: table[e]
    return jnp.take(table, e, axis=0)

if __name__ == "__main__":
    import jax
    _d = setup_inputs()
    print(jax.jit(kernel)(*tuple(_d.values())))

</pallas_src>

<mosaic_0001>
#map = affine_map<(d0, d1) -> (0, 0)>
module attributes {stable_mosaic.version = 14 : i64} {
  func.func @_tp_body(%arg0: i32, %arg1: i32, %arg2: memref<16x1000000xf32, #tpu.memory_space<hbm>>, %arg3: memref<125000x128xf32, #tpu.memory_space<hbm>>, %arg4: memref<16x1024xf32, #tpu.memory_space<vmem>>, %arg5: memref<17408xf32, #tpu.memory_space<vmem>>, %arg6: memref<128x128xf32, #tpu.memory_space<vmem>>, %arg7: memref<!tpu.dma_semaphore, #tpu.memory_space<semaphore_mem>>, %arg8: memref<!tpu.dma_semaphore, #tpu.memory_space<semaphore_mem>>) attributes {dimension_semantics = [#tpu.dimension_semantics<core_parallel>, #tpu.dimension_semantics<subcore_parallel>], iteration_bounds = array<i64: 2, 16>, scalar_prefetch = 0 : i64, scratch_operands = 5 : i64, tpu.core_type = #tpu.core_type<sc_vector_subcore>, window_params = [{transform_indices = #map}, {transform_indices = #map}]} {
    %mul3A = arith.constant 2 : i32
    %mul3A_0 = arith.muli %arg1, %mul3A : i32
    %add3A = arith.addi %mul3A_0, %arg0 : i32
    %sub3A = arith.constant 976 : i32
    %sub3A_1 = arith.subi %sub3A, %add3A : i32
    %add3A_2 = arith.constant 32 : i32
    %add3A_3 = arith.addi %sub3A_1, %add3A_2 : i32
    %sub3A_4 = arith.constant 1 : i32
    %sub3A_5 = arith.subi %add3A_3, %sub3A_4 : i32
    %jit3A = arith.constant 32 : i32
    %div3A = arith.divsi %sub3A_5, %jit3A : i32
    %sign3A = arith.constant 0 : i32
    %sign3A_6 = arith.cmpi sgt, %sub3A_5, %sign3A : i32
    %sign3A_7 = arith.extui %sign3A_6 : i1 to i32
    %sign3A_8 = arith.constant 0 : i32
    %sign3A_9 = arith.cmpi slt, %sub3A_5, %sign3A_8 : i32
    %sign3A_10 = arith.extui %sign3A_9 : i1 to i32
    %sign3A_11 = arith.subi %sign3A_7, %sign3A_10 : i32
    %sign3A_12 = arith.constant 0 : i32
    %sign3A_13 = arith.cmpi sgt, %jit3A, %sign3A_12 : i32
    %sign3A_14 = arith.extui %sign3A_13 : i1 to i32
    %sign3A_15 = arith.constant 0 : i32
    %sign3A_16 = arith.cmpi slt, %jit3A, %sign3A_15 : i32
    %sign3A_17 = arith.extui %sign3A_16 : i1 to i32
    %sign3A_18 = arith.subi %sign3A_14, %sign3A_17 : i32
    %ne3A = arith.cmpi ne, %sign3A_11, %sign3A_18 : i32
    %rem3A = arith.remsi %sub3A_5, %jit3A : i32
    %ne3A_19 = arith.constant 0 : i32
    %ne3A_20 = arith.cmpi ne, %rem3A, %ne3A_19 : i32
    %and3A = arith.andi %ne3A, %ne3A_20 : i1
    %sub3A_21 = arith.constant 1 : i32
    %sub3A_22 = arith.subi %div3A, %sub3A_21 : i32
    %select_n3A = arith.select %and3A, %sub3A_22, %div3A : i32
    %iota3A = tpu.iota {dimensions = array<i32: 0>} : vector<16xi32>
    %mul3A_23 = arith.constant 17 : i32
    %mul3A_24 = vector.broadcast %mul3A_23 : i32 to vector<16xi32>
    %mul3A_25 = arith.muli %iota3A, %mul3A_24 : vector<16xi32>
    %while3A = arith.constant 0 : i32
    %while3A_26 = arith.constant 0 : i32
    %while3A_27 = arith.subi %select_n3A, %while3A_26 : i32
    %while3A_28 = arith.addi %while3A_26, %while3A_27 : i32
    %while3A_29 = arith.constant 1 : i32
    %while3A_30 = arith.divsi %while3A_27, %while3A_29 : i32
    %while3A_31 = arith.muli %while3A_30, %while3A_29 : i32
    %while3A_32 = arith.addi %while3A_26, %while3A_31 : i32
    %while3A_33 = arith.constant 1 : i32
    scf.for %while3A_41 = %while3A_26 to %while3A_32 step %while3A_33  : i32 {
      %mul3A_42 = arith.constant 32 : i32
      %mul3A_43 = arith.muli %while3A_41, %mul3A_42 : i32
      %add3A_44 = arith.addi %add3A, %mul3A_43 : i32
      %mul3A_45 = arith.constant 1024 : i32
      %mul3A_46 = arith.muli %add3A_44, %mul3A_45 : i32
      %dma_start3A = arith.constant 0 : i32
      %dma_start3A_47 = arith.constant 0 : i32
      %dma_start3A_48 = tpu.memref_slice %arg4[%dma_start3A, %dma_start3A_47] : memref<16x1024xf32, #tpu.memory_space<vmem>> -> memref<16x1024xf32, #tpu.memory_space<vmem>>
      %dma_start3A_49 = arith.constant 0 : i32
      %dma_start3A_50 = tpu.memref_slice %arg2[%dma_start3A_49, %mul3A_46] : memref<16x1000000xf32, #tpu.memory_space<hbm>> -> memref<16x1024xf32, #tpu.memory_space<hbm>>
      %dma_start3A_51 = arith.constant 0 : i32
      %dma_start3A_52 = arith.constant 0 : i32
      %dma_start3A_53 = tpu.memref_slice %arg4[%dma_start3A_51, %dma_start3A_52] : memref<16x1024xf32, #tpu.memory_space<vmem>> -> memref<16x1024xf32, #tpu.memory_space<vmem>>
      %dma_start3A_54 = arith.constant 0 : i32
      %dma_start3A_55 = tpu.memref_slice %arg2[%dma_start3A_54, %mul3A_46] : memref<16x1000000xf32, #tpu.memory_space<hbm>> -> memref<16x1024xf32, #tpu.memory_space<hbm>>
      tpu.enqueue_dma source(%dma_start3A_55 : memref<16x1024xf32, #tpu.memory_space<hbm>>) target(%dma_start3A_53 : memref<16x1024xf32, #tpu.memory_space<vmem>>) target_semaphore(%arg7 : memref<!tpu.dma_semaphore, #tpu.memory_space<semaphore_mem>>)
      %mul3A_56 = arith.constant 1024 : i32
      %mul3A_57 = arith.muli %add3A_44, %mul3A_56 : i32
      %dma_wait3A = arith.constant 0 : i32
      %dma_wait3A_58 = arith.constant 0 : i32
      %dma_wait3A_59 = tpu.memref_slice %arg4[%dma_wait3A, %dma_wait3A_58] : memref<16x1024xf32, #tpu.memory_space<vmem>> -> memref<16x1024xf32, #tpu.memory_space<vmem>>
      %dma_wait3A_60 = arith.constant 0 : i32
      %dma_wait3A_61 = tpu.memref_slice %arg2[%dma_wait3A_60, %mul3A_57] : memref<16x1000000xf32, #tpu.memory_space<hbm>> -> memref<16x1024xf32, #tpu.memory_space<hbm>>
      %dma_wait3A_62 = arith.constant 0 : i32
      %dma_wait3A_63 = arith.constant 0 : i32
      %dma_wait3A_64 = tpu.memref_slice %arg4[%dma_wait3A_62, %dma_wait3A_63] : memref<16x1024xf32, #tpu.memory_space<vmem>> -> memref<16x1024xf32, #tpu.memory_space<vmem>>
      %dma_wait3A_65 = arith.constant 0 : i32
      %dma_wait3A_66 = tpu.memref_slice %arg2[%dma_wait3A_65, %mul3A_57] : memref<16x1000000xf32, #tpu.memory_space<hbm>> -> memref<16x1024xf32, #tpu.memory_space<hbm>>
      tpu.wait_dma2 semaphore(%arg7 : memref<!tpu.dma_semaphore, #tpu.memory_space<semaphore_mem>>) src(%dma_wait3A_66 : memref<16x1024xf32, #tpu.memory_space<hbm>>) dst(%dma_wait3A_64 : memref<16x1024xf32, #tpu.memory_space<vmem>>)
      %ge3A_67 = arith.constant 1 : i32
      %ge3A_68 = arith.cmpi sge, %while3A_41, %ge3A_67 : i32
      %convert_element_type3A_69 = arith.extui %ge3A_68 : i1 to i32
      %cond3A_70 = arith.constant 0 : i32
      %cond3A_71 = arith.cmpi ne, %convert_element_type3A_69, %cond3A_70 : i32
      scf.if %cond3A_71 {
        %sub3A_89 = arith.constant 1 : i32
        %sub3A_90 = arith.subi %while3A_41, %sub3A_89 : i32
        %mul3A_91 = arith.constant 32 : i32
        %mul3A_92 = arith.muli %sub3A_90, %mul3A_91 : i32
        %add3A_93 = arith.addi %add3A, %mul3A_92 : i32
        %mul3A_94 = arith.constant 128 : i32
        %mul3A_95 = arith.muli %add3A_93, %mul3A_94 : i32
        %multiple_of3A_96 = tpu.assume_multiple %mul3A_95, 8 : i32
        %dma_wait3A_97 = arith.constant 0 : i32
        %dma_wait3A_98 = arith.constant 0 : i32
        %dma_wait3A_99 = tpu.memref_slice %arg6[%dma_wait3A_97, %dma_wait3A_98] : memref<128x128xf32, #tpu.memory_space<vmem>> -> memref<128x128xf32, #tpu.memory_space<vmem>>
        %dma_wait3A_100 = arith.constant 0 : i32
        %dma_wait3A_101 = tpu.memref_slice %arg3[%multiple_of3A_96, %dma_wait3A_100] : memref<125000x128xf32, #tpu.memory_space<hbm>> -> memref<128x128xf32, #tpu.memory_space<hbm>>
        %dma_wait3A_102 = arith.constant 0 : i32
        %dma_wait3A_103 = tpu.memref_slice %arg3[%multiple_of3A_96, %dma_wait3A_102] : memref<125000x128xf32, #tpu.memory_space<hbm>> -> memref<128x128xf32, #tpu.memory_space<hbm>>
        %dma_wait3A_104 = arith.constant 0 : i32
        %dma_wait3A_105 = arith.constant 0 : i32
        %dma_wait3A_106 = tpu.memref_slice %arg6[%dma_wait3A_104, %dma_wait3A_105] : memref<128x128xf32, #tpu.memory_space<vmem>> -> memref<128x128xf32, #tpu.memory_space<vmem>>
        tpu.wait_dma2 semaphore(%arg8 : memref<!tpu.dma_semaphore, #tpu.memory_space<semaphore_mem>>) src(%dma_wait3A_106 : memref<128x128xf32, #tpu.memory_space<vmem>>) dst(%dma_wait3A_103 : memref<128x128xf32, #tpu.memory_space<hbm>>)
      } else {
      }
      %parallel_loop3A = arith.constant 0 : i32
      %parallel_loop3A_72 = arith.constant 1024 : i32
      %parallel_loop3A_73 = arith.constant 1 : i32
      scf.for %parallel_loop3A_89 = %parallel_loop3A to %parallel_loop3A_72 step %parallel_loop3A_73  : i32 {
        %parallel_loop3A_90 = arith.constant 15 : i32
        %parallel_loop3A_91 = arith.andi %parallel_loop3A_89, %parallel_loop3A_90 : i32
        %parallel_loop3A_92 = arith.constant 4 : i32
        %parallel_loop3A_93 = arith.shrsi %parallel_loop3A_89, %parallel_loop3A_92 : i32
        %parallel_loop3A_94 = vector.broadcast %parallel_loop3A_91 : i32 to vector<16xi32>
        %parallel_loop3A_95 = arith.constant 16 : i32
        %parallel_loop3A_96 = arith.muli %parallel_loop3A_93, %parallel_loop3A_95 : i32
        %parallel_loop3A_97 = vector.broadcast %parallel_loop3A_96 : i32 to vector<16xi32>
        %parallel_loop3A_98 = arith.addi %iota3A, %parallel_loop3A_97 : vector<16xi32>
        %parallel_loop3A_99 = tpu.vector_load_idx %arg4[%parallel_loop3A_94, %parallel_loop3A_98] : memref<16x1024xf32, #tpu.memory_space<vmem>>[vector<16xi32>, vector<16xi32>], vector<16xf32>,
        %parallel_loop3A_100 = arith.constant 16 : i32
        %parallel_loop3A_101 = arith.muli %parallel_loop3A_93, %parallel_loop3A_100 : i32
        %parallel_loop3A_102 = arith.constant 17 : i32
        %parallel_loop3A_103 = arith.muli %parallel_loop3A_101, %parallel_loop3A_102 : i32
        %parallel_loop3A_104 = arith.addi %parallel_loop3A_103, %parallel_loop3A_91 : i32
        %parallel_loop3A_105 = vector.broadcast %parallel_loop3A_104 : i32 to vector<16xi32>
        %parallel_loop3A_106 = arith.addi %mul3A_25, %parallel_loop3A_105 : vector<16xi32>
        tpu.vector_store_idx %arg5[%parallel_loop3A_106], %parallel_loop3A_99 : memref<17408xf32, #tpu.memory_space<vmem>>[vector<16xi32>], vector<16xf32>,
      } {sc.loop_unroll_factor = 16 : i64, sc.parallel_access}
      %parallel_loop3A_74 = arith.constant 0 : i32
      %parallel_loop3A_75 = arith.constant 1024 : i32
      %parallel_loop3A_76 = arith.constant 1 : i32
      scf.for %parallel_loop3A_89 = %parallel_loop3A_74 to %parallel_loop3A_75 step %parallel_loop3A_76  : i32 {
        %parallel_loop3A_90 = arith.constant 17 : i32
        %parallel_loop3A_91 = arith.muli %parallel_loop3A_89, %parallel_loop3A_90 : i32
        %parallel_loop3A_92 = vector.broadcast %parallel_loop3A_91 : i32 to vector<16xi32>
        %parallel_loop3A_93 = arith.addi %iota3A, %parallel_loop3A_92 : vector<16xi32>
        %parallel_loop3A_94 = tpu.vector_load_idx %arg5[%parallel_loop3A_93] : memref<17408xf32, #tpu.memory_space<vmem>>[vector<16xi32>], vector<16xf32>,
        %parallel_loop3A_95 = arith.constant 3 : i32
        %parallel_loop3A_96 = arith.shrsi %parallel_loop3A_89, %parallel_loop3A_95 : i32
        %parallel_loop3A_97 = vector.broadcast %parallel_loop3A_96 : i32 to vector<16xi32>
        %parallel_loop3A_98 = arith.constant 7 : i32
        %parallel_loop3A_99 = arith.andi %parallel_loop3A_89, %parallel_loop3A_98 : i32
        %parallel_loop3A_100 = arith.constant 16 : i32
        %parallel_loop3A_101 = arith.muli %parallel_loop3A_99, %parallel_loop3A_100 : i32
        %parallel_loop3A_102 = vector.broadcast %parallel_loop3A_101 : i32 to vector<16xi32>
        %parallel_loop3A_103 = arith.addi %iota3A, %parallel_loop3A_102 : vector<16xi32>
        tpu.vector_store_idx %arg6[%parallel_loop3A_97, %parallel_loop3A_103], %parallel_loop3A_94 : memref<128x128xf32, #tpu.memory_space<vmem>>[vector<16xi32>, vector<16xi32>], vector<16xf32>,
      } {sc.loop_unroll_factor = 16 : i64, sc.parallel_access}
      %mul3A_77 = arith.constant 128 : i32
      %mul3A_78 = arith.muli %add3A_44, %mul3A_77 : i32
      %multiple_of3A = tpu.assume_multiple %mul3A_78, 8 : i32
      %dma_start3A_79 = arith.constant 0 : i32
      %dma_start3A_80 = arith.constant 0 : i32
      %dma_start3A_81 = tpu.memref_slice %arg6[%dma_start3A_79, %dma_start3A_80] : memref<128x128xf32, #tpu.memory_space<vmem>> -> memref<128x128xf32, #tpu.memory_space<vmem>>
      %dma_start3A_82 = arith.constant 0 : i32
      %dma_start3A_83 = tpu.memref_slice %arg3[%multiple_of3A, %dma_start3A_82] : memref<125000x128xf32, #tpu.memory_space<hbm>> -> memref<128x128xf32, #tpu.memory_space<hbm>>
      %dma_start3A_84 = arith.constant 0 : i32
      %dma_start3A_85 = tpu.memref_slice %arg3[%multiple_of3A, %dma_start3A_84] : memref<125000x128xf32, #tpu.memory_space<hbm>> -> memref<128x128xf32, #tpu.memory_space<hbm>>
      %dma_start3A_86 = arith.constant 0 : i32
      %dma_start3A_87 = arith.constant 0 : i32
      %dma_start3A_88 = tpu.memref_slice %arg6[%dma_start3A_86, %dma_start3A_87] : memref<128x128xf32, #tpu.memory_space<vmem>> -> memref<128x128xf32, #tpu.memory_space<vmem>>
      tpu.enqueue_dma source(%dma_start3A_88 : memref<128x128xf32, #tpu.memory_space<vmem>>) target(%dma_start3A_85 : memref<128x128xf32, #tpu.memory_space<hbm>>) target_semaphore(%arg8 : memref<!tpu.dma_semaphore, #tpu.memory_space<semaphore_mem>>)
    }
    %while3A_34 = arith.constant 1 : i32
    scf.for %while3A_41 = %while3A_32 to %while3A_28 step %while3A_34  : i32 {
      %mul3A_42 = arith.constant 32 : i32
      %mul3A_43 = arith.muli %while3A_41, %mul3A_42 : i32
      %add3A_44 = arith.addi %add3A, %mul3A_43 : i32
      %mul3A_45 = arith.constant 1024 : i32
      %mul3A_46 = arith.muli %add3A_44, %mul3A_45 : i32
      %dma_start3A = arith.constant 0 : i32
      %dma_start3A_47 = arith.constant 0 : i32
      %dma_start3A_48 = tpu.memref_slice %arg4[%dma_start3A, %dma_start3A_47] : memref<16x1024xf32, #tpu.memory_space<vmem>> -> memref<16x1024xf32, #tpu.memory_space<vmem>>
      %dma_start3A_49 = arith.constant 0 : i32
      %dma_start3A_50 = tpu.memref_slice %arg2[%dma_start3A_49, %mul3A_46] : memref<16x1000000xf32, #tpu.memory_space<hbm>> -> memref<16x1024xf32, #tpu.memory_space<hbm>>
      %dma_start3A_51 = arith.constant 0 : i32
      %dma_start3A_52 = arith.constant 0 : i32
      %dma_start3A_53 = tpu.memref_slice %arg4[%dma_start3A_51, %dma_start3A_52] : memref<16x1024xf32, #tpu.memory_space<vmem>> -> memref<16x1024xf32, #tpu.memory_space<vmem>>
      %dma_start3A_54 = arith.constant 0 : i32
      %dma_start3A_55 = tpu.memref_slice %arg2[%dma_start3A_54, %mul3A_46] : memref<16x1000000xf32, #tpu.memory_space<hbm>> -> memref<16x1024xf32, #tpu.memory_space<hbm>>
      tpu.enqueue_dma source(%dma_start3A_55 : memref<16x1024xf32, #tpu.memory_space<hbm>>) target(%dma_start3A_53 : memref<16x1024xf32, #tpu.memory_space<vmem>>) target_semaphore(%arg7 : memref<!tpu.dma_semaphore, #tpu.memory_space<semaphore_mem>>)
      %mul3A_56 = arith.constant 1024 : i32
      %mul3A_57 = arith.muli %add3A_44, %mul3A_56 : i32
      %dma_wait3A = arith.constant 0 : i32
      %dma_wait3A_58 = arith.constant 0 : i32
      %dma_wait3A_59 = tpu.memref_slice %arg4[%dma_wait3A, %dma_wait3A_58] : memref<16x1024xf32, #tpu.memory_space<vmem>> -> memref<16x1024xf32, #tpu.memory_space<vmem>>
      %dma_wait3A_60 = arith.constant 0 : i32
      %dma_wait3A_61 = tpu.memref_slice %arg2[%dma_wait3A_60, %mul3A_57] : memref<16x1000000xf32, #tpu.memory_space<hbm>> -> memref<16x1024xf32, #tpu.memory_space<hbm>>
      %dma_wait3A_62 = arith.constant 0 : i32
      %dma_wait3A_63 = arith.constant 0 : i32
      %dma_wait3A_64 = tpu.memref_slice %arg4[%dma_wait3A_62, %dma_wait3A_63] : memref<16x1024xf32, #tpu.memory_space<vmem>> -> memref<16x1024xf32, #tpu.memory_space<vmem>>
      %dma_wait3A_65 = arith.constant 0 : i32
      %dma_wait3A_66 = tpu.memref_slice %arg2[%dma_wait3A_65, %mul3A_57] : memref<16x1000000xf32, #tpu.memory_space<hbm>> -> memref<16x1024xf32, #tpu.memory_space<hbm>>
      tpu.wait_dma2 semaphore(%arg7 : memref<!tpu.dma_semaphore, #tpu.memory_space<semaphore_mem>>) src(%dma_wait3A_66 : memref<16x1024xf32, #tpu.memory_space<hbm>>) dst(%dma_wait3A_64 : memref<16x1024xf32, #tpu.memory_space<vmem>>)
      %ge3A_67 = arith.constant 1 : i32
      %ge3A_68 = arith.cmpi sge, %while3A_41, %ge3A_67 : i32
      %convert_element_type3A_69 = arith.extui %ge3A_68 : i1 to i32
      %cond3A_70 = arith.constant 0 : i32
      %cond3A_71 = arith.cmpi ne, %convert_element_type3A_69, %cond3A_70 : i32
      scf.if %cond3A_71 {
        %sub3A_89 = arith.constant 1 : i32
        %sub3A_90 = arith.subi %while3A_41, %sub3A_89 : i32
        %mul3A_91 = arith.constant 32 : i32
        %mul3A_92 = arith.muli %sub3A_90, %mul3A_91 : i32
        %add3A_93 = arith.addi %add3A, %mul3A_92 : i32
        %mul3A_94 = arith.constant 128 : i32
        %mul3A_95 = arith.muli %add3A_93, %mul3A_94 : i32
        %multiple_of3A_96 = tpu.assume_multiple %mul3A_95, 8 : i32
        %dma_wait3A_97 = arith.constant 0 : i32
        %dma_wait3A_98 = arith.constant 0 : i32
        %dma_wait3A_99 = tpu.memref_slice %arg6[%dma_wait3A_97, %dma_wait3A_98] : memref<128x128xf32, #tpu.memory_space<vmem>> -> memref<128x128xf32, #tpu.memory_space<vmem>>
        %dma_wait3A_100 = arith.constant 0 : i32
        %dma_wait3A_101 = tpu.memref_slice %arg3[%multiple_of3A_96, %dma_wait3A_100] : memref<125000x128xf32, #tpu.memory_space<hbm>> -> memref<128x128xf32, #tpu.memory_space<hbm>>
        %dma_wait3A_102 = arith.constant 0 : i32
        %dma_wait3A_103 = tpu.memref_slice %arg3[%multiple_of3A_96, %dma_wait3A_102] : memref<125000x128xf32, #tpu.memory_space<hbm>> -> memref<128x128xf32, #tpu.memory_space<hbm>>
        %dma_wait3A_104 = arith.constant 0 : i32
        %dma_wait3A_105 = arith.constant 0 : i32
        %dma_wait3A_106 = tpu.memref_slice %arg6[%dma_wait3A_104, %dma_wait3A_105] : memref<128x128xf32, #tpu.memory_space<vmem>> -> memref<128x128xf32, #tpu.memory_space<vmem>>
        tpu.wait_dma2 semaphore(%arg8 : memref<!tpu.dma_semaphore, #tpu.memory_space<semaphore_mem>>) src(%dma_wait3A_106 : memref<128x128xf32, #tpu.memory_space<vmem>>) dst(%dma_wait3A_103 : memref<128x128xf32, #tpu.memory_space<hbm>>)
      } else {
      }
      %parallel_loop3A = arith.constant 0 : i32
      %parallel_loop3A_72 = arith.constant 1024 : i32
      %parallel_loop3A_73 = arith.constant 1 : i32
      scf.for %parallel_loop3A_89 = %parallel_loop3A to %parallel_loop3A_72 step %parallel_loop3A_73  : i32 {
        %parallel_loop3A_90 = arith.constant 15 : i32
        %parallel_loop3A_91 = arith.andi %parallel_loop3A_89, %parallel_loop3A_90 : i32
        %parallel_loop3A_92 = arith.constant 4 : i32
        %parallel_loop3A_93 = arith.shrsi %parallel_loop3A_89, %parallel_loop3A_92 : i32
        %parallel_loop3A_94 = vector.broadcast %parallel_loop3A_91 : i32 to vector<16xi32>
        %parallel_loop3A_95 = arith.constant 16 : i32
        %parallel_loop3A_96 = arith.muli %parallel_loop3A_93, %parallel_loop3A_95 : i32
        %parallel_loop3A_97 = vector.broadcast %parallel_loop3A_96 : i32 to vector<16xi32>
        %parallel_loop3A_98 = arith.addi %iota3A, %parallel_loop3A_97 : vector<16xi32>
        %parallel_loop3A_99 = tpu.vector_load_idx %arg4[%parallel_loop3A_94, %parallel_loop3A_98] : memref<16x1024xf32, #tpu.memory_space<vmem>>[vector<16xi32>, vector<16xi32>], vector<16xf32>,
        %parallel_loop3A_100 = arith.constant 16 : i32
        %parallel_loop3A_101 = arith.muli %parallel_loop3A_93, %parallel_loop3A_100 : i32
        %parallel_loop3A_102 = arith.constant 17 : i32
        %parallel_loop3A_103 = arith.muli %parallel_loop3A_101, %parallel_loop3A_102 : i32
        %parallel_loop3A_104 = arith.addi %parallel_loop3A_103, %parallel_loop3A_91 : i32
        %parallel_loop3A_105 = vector.broadcast %parallel_loop3A_104 : i32 to vector<16xi32>
        %parallel_loop3A_106 = arith.addi %mul3A_25, %parallel_loop3A_105 : vector<16xi32>
        tpu.vector_store_idx %arg5[%parallel_loop3A_106], %parallel_loop3A_99 : memref<17408xf32, #tpu.memory_space<vmem>>[vector<16xi32>], vector<16xf32>,
      } {sc.loop_unroll_factor = 16 : i64, sc.parallel_access}
      %parallel_loop3A_74 = arith.constant 0 : i32
      %parallel_loop3A_75 = arith.constant 1024 : i32
      %parallel_loop3A_76 = arith.constant 1 : i32
      scf.for %parallel_loop3A_89 = %parallel_loop3A_74 to %parallel_loop3A_75 step %parallel_loop3A_76  : i32 {
        %parallel_loop3A_90 = arith.constant 17 : i32
        %parallel_loop3A_91 = arith.muli %parallel_loop3A_89, %parallel_loop3A_90 : i32
        %parallel_loop3A_92 = vector.broadcast %parallel_loop3A_91 : i32 to vector<16xi32>
        %parallel_loop3A_93 = arith.addi %iota3A, %parallel_loop3A_92 : vector<16xi32>
        %parallel_loop3A_94 = tpu.vector_load_idx %arg5[%parallel_loop3A_93] : memref<17408xf32, #tpu.memory_space<vmem>>[vector<16xi32>], vector<16xf32>,
        %parallel_loop3A_95 = arith.constant 3 : i32
        %parallel_loop3A_96 = arith.shrsi %parallel_loop3A_89, %parallel_loop3A_95 : i32
        %parallel_loop3A_97 = vector.broadcast %parallel_loop3A_96 : i32 to vector<16xi32>
        %parallel_loop3A_98 = arith.constant 7 : i32
        %parallel_loop3A_99 = arith.andi %parallel_loop3A_89, %parallel_loop3A_98 : i32
        %parallel_loop3A_100 = arith.constant 16 : i32
        %parallel_loop3A_101 = arith.muli %parallel_loop3A_99, %parallel_loop3A_100 : i32
        %parallel_loop3A_102 = vector.broadcast %parallel_loop3A_101 : i32 to vector<16xi32>
        %parallel_loop3A_103 = arith.addi %iota3A, %parallel_loop3A_102 : vector<16xi32>
        tpu.vector_store_idx %arg6[%parallel_loop3A_97, %parallel_loop3A_103], %parallel_loop3A_94 : memref<128x128xf32, #tpu.memory_space<vmem>>[vector<16xi32>, vector<16xi32>], vector<16xf32>,
      } {sc.loop_unroll_factor = 16 : i64, sc.parallel_access}
      %mul3A_77 = arith.constant 128 : i32
      %mul3A_78 = arith.muli %add3A_44, %mul3A_77 : i32
      %multiple_of3A = tpu.assume_multiple %mul3A_78, 8 : i32
      %dma_start3A_79 = arith.constant 0 : i32
      %dma_start3A_80 = arith.constant 0 : i32
      %dma_start3A_81 = tpu.memref_slice %arg6[%dma_start3A_79, %dma_start3A_80] : memref<128x128xf32, #tpu.memory_space<vmem>> -> memref<128x128xf32, #tpu.memory_space<vmem>>
      %dma_start3A_82 = arith.constant 0 : i32
      %dma_start3A_83 = tpu.memref_slice %arg3[%multiple_of3A, %dma_start3A_82] : memref<125000x128xf32, #tpu.memory_space<hbm>> -> memref<128x128xf32, #tpu.memory_space<hbm>>
      %dma_start3A_84 = arith.constant 0 : i32
      %dma_start3A_85 = tpu.memref_slice %arg3[%multiple_of3A, %dma_start3A_84] : memref<125000x128xf32, #tpu.memory_space<hbm>> -> memref<128x128xf32, #tpu.memory_space<hbm>>
      %dma_start3A_86 = arith.constant 0 : i32
      %dma_start3A_87 = arith.constant 0 : i32
      %dma_start3A_88 = tpu.memref_slice %arg6[%dma_start3A_86, %dma_start3A_87] : memref<128x128xf32, #tpu.memory_space<vmem>> -> memref<128x128xf32, #tpu.memory_space<vmem>>
      tpu.enqueue_dma source(%dma_start3A_88 : memref<128x128xf32, #tpu.memory_space<vmem>>) target(%dma_start3A_85 : memref<128x128xf32, #tpu.memory_space<hbm>>) target_semaphore(%arg8 : memref<!tpu.dma_semaphore, #tpu.memory_space<semaphore_mem>>)
    }
    %ge3A = arith.constant 1 : i32
    %ge3A_35 = arith.cmpi sge, %select_n3A, %ge3A : i32
    %convert_element_type3A = arith.extui %ge3A_35 : i1 to i32
    %cond3A = arith.constant 0 : i32
    %cond3A_36 = arith.cmpi ne, %convert_element_type3A, %cond3A : i32
    scf.if %cond3A_36 {
      %sub3A_41 = arith.constant 1 : i32
      %sub3A_42 = arith.subi %select_n3A, %sub3A_41 : i32
      %mul3A_43 = arith.constant 32 : i32
      %mul3A_44 = arith.muli %sub3A_42, %mul3A_43 : i32
      %add3A_45 = arith.addi %add3A, %mul3A_44 : i32
      %mul3A_46 = arith.constant 128 : i32
      %mul3A_47 = arith.muli %add3A_45, %mul3A_46 : i32
      %multiple_of3A = tpu.assume_multiple %mul3A_47, 8 : i32
      %dma_wait3A = arith.constant 0 : i32
      %dma_wait3A_48 = arith.constant 0 : i32
      %dma_wait3A_49 = tpu.memref_slice %arg6[%dma_wait3A, %dma_wait3A_48] : memref<128x128xf32, #tpu.memory_space<vmem>> -> memref<128x128xf32, #tpu.memory_space<vmem>>
      %dma_wait3A_50 = arith.constant 0 : i32
      %dma_wait3A_51 = tpu.memref_slice %arg3[%multiple_of3A, %dma_wait3A_50] : memref<125000x128xf32, #tpu.memory_space<hbm>> -> memref<128x128xf32, #tpu.memory_space<hbm>>
      %dma_wait3A_52 = arith.constant 0 : i32
      %dma_wait3A_53 = tpu.memref_slice %arg3[%multiple_of3A, %dma_wait3A_52] : memref<125000x128xf32, #tpu.memory_space<hbm>> -> memref<128x128xf32, #tpu.memory_space<hbm>>
      %dma_wait3A_54 = arith.constant 0 : i32
      %dma_wait3A_55 = arith.constant 0 : i32
      %dma_wait3A_56 = tpu.memref_slice %arg6[%dma_wait3A_54, %dma_wait3A_55] : memref<128x128xf32, #tpu.memory_space<vmem>> -> memref<128x128xf32, #tpu.memory_space<vmem>>
      tpu.wait_dma2 semaphore(%arg8 : memref<!tpu.dma_semaphore, #tpu.memory_space<semaphore_mem>>) src(%dma_wait3A_56 : memref<128x128xf32, #tpu.memory_space<vmem>>) dst(%dma_wait3A_53 : memref<128x128xf32, #tpu.memory_space<hbm>>)
    } else {
    }
    %eq3A = arith.constant 16 : i32
    %eq3A_37 = arith.cmpi eq, %add3A, %eq3A : i32
    %convert_element_type3A_38 = arith.extui %eq3A_37 : i1 to i32
    %cond3A_39 = arith.constant 0 : i32
    %cond3A_40 = arith.cmpi ne, %convert_element_type3A_38, %cond3A_39 : i32
    scf.if %cond3A_40 {
      %min3A = arith.constant 0 : i32
      %min3A_41 = arith.minsi %add3A, %min3A : i32
      %add3A_42 = arith.constant 999424 : i32
      %add3A_43 = arith.addi %add3A_42, %min3A_41 : i32
      %multiple_of3A = tpu.assume_multiple %add3A_43, 128 : i32
      %dma_start3A = arith.constant 0 : i32
      %dma_start3A_44 = arith.constant 0 : i32
      %dma_start3A_45 = tpu.memref_slice %arg4[%dma_start3A, %dma_start3A_44] : memref<16x1024xf32, #tpu.memory_space<vmem>> -> memref<16x640xf32, #tpu.memory_space<vmem>>
      %dma_start3A_46 = arith.constant 0 : i32
      %dma_start3A_47 = tpu.memref_slice %arg2[%dma_start3A_46, %multiple_of3A] : memref<16x1000000xf32, #tpu.memory_space<hbm>> -> memref<16x640xf32, #tpu.memory_space<hbm>>
      %dma_start3A_48 = arith.constant 0 : i32
      %dma_start3A_49 = arith.constant 0 : i32
      %dma_start3A_50 = tpu.memref_slice %arg4[%dma_start3A_48, %dma_start3A_49] : memref<16x1024xf32, #tpu.memory_space<vmem>> -> memref<16x640xf32, #tpu.memory_space<vmem>>
      %dma_start3A_51 = arith.constant 0 : i32
      %dma_start3A_52 = tpu.memref_slice %arg2[%dma_start3A_51, %multiple_of3A] : memref<16x1000000xf32, #tpu.memory_space<hbm>> -> memref<16x640xf32, #tpu.memory_space<hbm>>
      tpu.enqueue_dma source(%dma_start3A_52 : memref<16x640xf32, #tpu.memory_space<hbm>>) target(%dma_start3A_50 : memref<16x640xf32, #tpu.memory_space<vmem>>) target_semaphore(%arg7 : memref<!tpu.dma_semaphore, #tpu.memory_space<semaphore_mem>>)
      %dma_wait3A = arith.constant 0 : i32
      %dma_wait3A_53 = arith.constant 0 : i32
      %dma_wait3A_54 = tpu.memref_slice %arg4[%dma_wait3A, %dma_wait3A_53] : memref<16x1024xf32, #tpu.memory_space<vmem>> -> memref<16x640xf32, #tpu.memory_space<vmem>>
      %dma_wait3A_55 = arith.constant 0 : i32
      %dma_wait3A_56 = tpu.memref_slice %arg2[%dma_wait3A_55, %multiple_of3A] : memref<16x1000000xf32, #tpu.memory_space<hbm>> -> memref<16x640xf32, #tpu.memory_space<hbm>>
      %dma_wait3A_57 = arith.constant 0 : i32
      %dma_wait3A_58 = arith.constant 0 : i32
      %dma_wait3A_59 = tpu.memref_slice %arg4[%dma_wait3A_57, %dma_wait3A_58] : memref<16x1024xf32, #tpu.memory_space<vmem>> -> memref<16x640xf32, #tpu.memory_space<vmem>>
      %dma_wait3A_60 = arith.constant 0 : i32
      %dma_wait3A_61 = tpu.memref_slice %arg2[%dma_wait3A_60, %multiple_of3A] : memref<16x1000000xf32, #tpu.memory_space<hbm>> -> memref<16x640xf32, #tpu.memory_space<hbm>>
      tpu.wait_dma2 semaphore(%arg7 : memref<!tpu.dma_semaphore, #tpu.memory_space<semaphore_mem>>) src(%dma_wait3A_61 : memref<16x640xf32, #tpu.memory_space<hbm>>) dst(%dma_wait3A_59 : memref<16x640xf32, #tpu.memory_space<vmem>>)
      %parallel_loop3A = arith.constant 0 : i32
      %parallel_loop3A_62 = arith.constant 640 : i32
      %parallel_loop3A_63 = arith.constant 1 : i32
      scf.for %parallel_loop3A_91 = %parallel_loop3A to %parallel_loop3A_62 step %parallel_loop3A_63  : i32 {
        %parallel_loop3A_92 = arith.constant 15 : i32
        %parallel_loop3A_93 = arith.andi %parallel_loop3A_91, %parallel_loop3A_92 : i32
        %parallel_loop3A_94 = arith.constant 4 : i32
        %parallel_loop3A_95 = arith.shrsi %parallel_loop3A_91, %parallel_loop3A_94 : i32
        %parallel_loop3A_96 = vector.broadcast %parallel_loop3A_93 : i32 to vector<16xi32>
        %parallel_loop3A_97 = arith.constant 16 : i32
        %parallel_loop3A_98 = arith.muli %parallel_loop3A_95, %parallel_loop3A_97 : i32
        %parallel_loop3A_99 = vector.broadcast %parallel_loop3A_98 : i32 to vector<16xi32>
        %parallel_loop3A_100 = arith.addi %iota3A, %parallel_loop3A_99 : vector<16xi32>
        %parallel_loop3A_101 = tpu.vector_load_idx %arg4[%parallel_loop3A_96, %parallel_loop3A_100] : memref<16x1024xf32, #tpu.memory_space<vmem>>[vector<16xi32>, vector<16xi32>], vector<16xf32>,
        %parallel_loop3A_102 = arith.constant 16 : i32
        %parallel_loop3A_103 = arith.muli %parallel_loop3A_95, %parallel_loop3A_102 : i32
        %parallel_loop3A_104 = arith.constant 17 : i32
        %parallel_loop3A_105 = arith.muli %parallel_loop3A_103, %parallel_loop3A_104 : i32
        %parallel_loop3A_106 = arith.addi %parallel_loop3A_105, %parallel_loop3A_93 : i32
        %parallel_loop3A_107 = vector.broadcast %parallel_loop3A_106 : i32 to vector<16xi32>
        %parallel_loop3A_108 = arith.addi %mul3A_25, %parallel_loop3A_107 : vector<16xi32>
        tpu.vector_store_idx %arg5[%parallel_loop3A_108], %parallel_loop3A_101 : memref<17408xf32, #tpu.memory_space<vmem>>[vector<16xi32>], vector<16xf32>,
      } {sc.loop_unroll_factor = 16 : i64, sc.parallel_access}
      %parallel_loop3A_64 = arith.constant 0 : i32
      %parallel_loop3A_65 = arith.constant 640 : i32
      %parallel_loop3A_66 = arith.constant 1 : i32
      scf.for %parallel_loop3A_91 = %parallel_loop3A_64 to %parallel_loop3A_65 step %parallel_loop3A_66  : i32 {
        %parallel_loop3A_92 = arith.constant 17 : i32
        %parallel_loop3A_93 = arith.muli %parallel_loop3A_91, %parallel_loop3A_92 : i32
        %parallel_loop3A_94 = vector.broadcast %parallel_loop3A_93 : i32 to vector<16xi32>
        %parallel_loop3A_95 = arith.addi %iota3A, %parallel_loop3A_94 : vector<16xi32>
        %parallel_loop3A_96 = tpu.vector_load_idx %arg5[%parallel_loop3A_95] : memref<17408xf32, #tpu.memory_space<vmem>>[vector<16xi32>], vector<16xf32>,
        %parallel_loop3A_97 = arith.constant 3 : i32
        %parallel_loop3A_98 = arith.shrsi %parallel_loop3A_91, %parallel_loop3A_97 : i32
        %parallel_loop3A_99 = vector.broadcast %parallel_loop3A_98 : i32 to vector<16xi32>
        %parallel_loop3A_100 = arith.constant 7 : i32
        %parallel_loop3A_101 = arith.andi %parallel_loop3A_91, %parallel_loop3A_100 : i32
        %parallel_loop3A_102 = arith.constant 16 : i32
        %parallel_loop3A_103 = arith.muli %parallel_loop3A_101, %parallel_loop3A_102 : i32
        %parallel_loop3A_104 = vector.broadcast %parallel_loop3A_103 : i32 to vector<16xi32>
        %parallel_loop3A_105 = arith.addi %iota3A, %parallel_loop3A_104 : vector<16xi32>
        tpu.vector_store_idx %arg6[%parallel_loop3A_99, %parallel_loop3A_105], %parallel_loop3A_96 : memref<128x128xf32, #tpu.memory_space<vmem>>[vector<16xi32>, vector<16xi32>], vector<16xf32>,
      } {sc.loop_unroll_factor = 16 : i64, sc.parallel_access}
      %multiple_of3A_67 = arith.constant 124928 : i32
      %multiple_of3A_68 = tpu.assume_multiple %multiple_of3A_67, 8 : i32
      %dma_start3A_69 = arith.constant 0 : i32
      %dma_start3A_70 = arith.constant 0 : i32
      %dma_start3A_71 = tpu.memref_slice %arg6[%dma_start3A_69, %dma_start3A_70] : memref<128x128xf32, #tpu.memory_space<vmem>> -> memref<72x128xf32, #tpu.memory_space<vmem>>
      %dma_start3A_72 = arith.constant 0 : i32
      %dma_start3A_73 = tpu.memref_slice %arg3[%multiple_of3A_68, %dma_start3A_72] : memref<125000x128xf32, #tpu.memory_space<hbm>> -> memref<72x128xf32, #tpu.memory_space<hbm>>
      %dma_start3A_74 = arith.constant 0 : i32
      %dma_start3A_75 = tpu.memref_slice %arg3[%multiple_of3A_68, %dma_start3A_74] : memref<125000x128xf32, #tpu.memory_space<hbm>> -> memref<72x128xf32, #tpu.memory_space<hbm>>
      %dma_start3A_76 = arith.constant 0 : i32
      %dma_start3A_77 = arith.constant 0 : i32
      %dma_start3A_78 = tpu.memref_slice %arg6[%dma_start3A_76, %dma_start3A_77] : memref<128x128xf32, #tpu.memory_space<vmem>> -> memref<72x128xf32, #tpu.memory_space<vmem>>
      tpu.enqueue_dma source(%dma_start3A_78 : memref<72x128xf32, #tpu.memory_space<vmem>>) target(%dma_start3A_75 : memref<72x128xf32, #tpu.memory_space<hbm>>) target_semaphore(%arg8 : memref<!tpu.dma_semaphore, #tpu.memory_space<semaphore_mem>>)
      %multiple_of3A_79 = arith.constant 124928 : i32
      %multiple_of3A_80 = tpu.assume_multiple %multiple_of3A_79, 8 : i32
      %dma_wait3A_81 = arith.constant 0 : i32
      %dma_wait3A_82 = arith.constant 0 : i32
      %dma_wait3A_83 = tpu.memref_slice %arg6[%dma_wait3A_81, %dma_wait3A_82] : memref<128x128xf32, #tpu.memory_space<vmem>> -> memref<72x128xf32, #tpu.memory_space<vmem>>
      %dma_wait3A_84 = arith.constant 0 : i32
      %dma_wait3A_85 = tpu.memref_slice %arg3[%multiple_of3A_80, %dma_wait3A_84] : memref<125000x128xf32, #tpu.memory_space<hbm>> -> memref<72x128xf32, #tpu.memory_space<hbm>>
      %dma_wait3A_86 = arith.constant 0 : i32
      %dma_wait3A_87 = tpu.memref_slice %arg3[%multiple_of3A_80, %dma_wait3A_86] : memref<125000x128xf32, #tpu.memory_space<hbm>> -> memref<72x128xf32, #tpu.memory_space<hbm>>
      %dma_wait3A_88 = arith.constant 0 : i32
      %dma_wait3A_89 = arith.constant 0 : i32
      %dma_wait3A_90 = tpu.memref_slice %arg6[%dma_wait3A_88, %dma_wait3A_89] : memref<128x128xf32, #tpu.memory_space<vmem>> -> memref<72x128xf32, #tpu.memory_space<vmem>>
      tpu.wait_dma2 semaphore(%arg8 : memref<!tpu.dma_semaphore, #tpu.memory_space<semaphore_mem>>) src(%dma_wait3A_90 : memref<72x128xf32, #tpu.memory_space<vmem>>) dst(%dma_wait3A_87 : memref<72x128xf32, #tpu.memory_space<hbm>>)
    } else {
    }
    return
  }
}

#map = affine_map<(d0, d1) -> (0, 0)>
#map1 = affine_map<(d0, d1) -> (0)>
#map2 = affine_map<(d0, d1) -> (0, 0, 0, 0, 0)>
module attributes {stable_mosaic.version = 14 : i64} {
  func.func @_emb_body(%arg0: i32, %arg1: i32, %arg2: memref<1000000x16xf32, #tpu.memory_space<hbm>>, %arg3: memref<3276800xi32, #tpu.memory_space<hbm>>, %arg4: memref<200x2x128x8x128xf32, #tpu.memory_space<hbm>>, %arg5: memref<2x512xi32, #tpu.memory_space<vmem>>, %arg6: memref<2x512x16xf32, #tpu.memory_space<vmem>>, %arg7: memref<2x8704xf32, #tpu.memory_space<vmem>>, %arg8: memref<2x2x4x8x128xf32, #tpu.memory_space<vmem>>, %arg9: memref<!tpu.dma_semaphore, #tpu.memory_space<semaphore_mem>>, %arg10: memref<!tpu.dma_semaphore, #tpu.memory_space<semaphore_mem>>, %arg11: memref<!tpu.dma_semaphore, #tpu.memory_space<semaphore_mem>>, %arg12: memref<!tpu.dma_semaphore, #tpu.memory_space<semaphore_mem>>, %arg13: memref<!tpu.dma_semaphore, #tpu.memory_space<semaphore_mem>>, %arg14: memref<!tpu.dma_semaphore, #tpu.memory_space<semaphore_mem>>) attributes {dimension_semantics = [#tpu.dimension_semantics<core_parallel>, #tpu.dimension_semantics<subcore_parallel>], iteration_bounds = array<i64: 2, 16>, scalar_prefetch = 0 : i64, scratch_operands = 10 : i64, tpu.core_type = #tpu.core_type<sc_vector_subcore>, window_params = [{transform_indices = #map}, {transform_indices = #map1}, {transform_indices = #map2}]} {
    %mul3A = arith.constant 2 : i32
    %mul3A_0 = arith.muli %arg1, %mul3A : i32
    %add3A = arith.addi %mul3A_0, %arg0 : i32
    %mul3A_1 = arith.constant 512 : i32
    %mul3A_2 = arith.muli %add3A, %mul3A_1 : i32
    %mul3A_3 = arith.constant 4 : i32
    %mul3A_4 = arith.muli %add3A, %mul3A_3 : i32
    %add3A_5 = arith.constant 0 : i32
    %add3A_6 = arith.addi %add3A_5, %mul3A_2 : i32
    %dma_start3A = arith.constant 0 : i32
    %dma_start3A_7 = arith.constant 0 : i32
    %dma_start3A_8 = tpu.memref_slice %arg5[%dma_start3A, %dma_start3A_7] : memref<2x512xi32, #tpu.memory_space<vmem>> -> memref<1x512xi32, #tpu.memory_space<vmem>>
    %dma_start3A_9 = tpu.memref_squeeze %dma_start3A_8 : memref<1x512xi32, #tpu.memory_space<vmem>> -> memref<512xi32, #tpu.memory_space<vmem>>
    %dma_start3A_10 = tpu.memref_slice %arg3[%add3A_6] : memref<3276800xi32, #tpu.memory_space<hbm>> -> memref<512xi32, #tpu.memory_space<hbm>>
    %dma_start3A_11 = arith.constant 0 : i32
    %dma_start3A_12 = tpu.memref_slice %arg5[%dma_start3A, %dma_start3A_11] : memref<2x512xi32, #tpu.memory_space<vmem>> -> memref<1x512xi32, #tpu.memory_space<vmem>>
    %dma_start3A_13 = tpu.memref_squeeze %dma_start3A_12 : memref<1x512xi32, #tpu.memory_space<vmem>> -> memref<512xi32, #tpu.memory_space<vmem>>
    %dma_start3A_14 = tpu.memref_slice %arg3[%add3A_6] : memref<3276800xi32, #tpu.memory_space<hbm>> -> memref<512xi32, #tpu.memory_space<hbm>>
    tpu.enqueue_dma source(%dma_start3A_14 : memref<512xi32, #tpu.memory_space<hbm>>) target(%dma_start3A_13 : memref<512xi32, #tpu.memory_space<vmem>>) target_semaphore(%arg9 : memref<!tpu.dma_semaphore, #tpu.memory_space<semaphore_mem>>)
    %add3A_15 = arith.constant 16384 : i32
    %add3A_16 = arith.addi %add3A_15, %mul3A_2 : i32
    %dma_start3A_17 = arith.constant 1 : i32
    %dma_start3A_18 = arith.constant 0 : i32
    %dma_start3A_19 = tpu.memref_slice %arg5[%dma_start3A_17, %dma_start3A_18] : memref<2x512xi32, #tpu.memory_space<vmem>> -> memref<1x512xi32, #tpu.memory_space<vmem>>
    %dma_start3A_20 = tpu.memref_squeeze %dma_start3A_19 : memref<1x512xi32, #tpu.memory_space<vmem>> -> memref<512xi32, #tpu.memory_space<vmem>>
    %dma_start3A_21 = tpu.memref_slice %arg3[%add3A_16] : memref<3276800xi32, #tpu.memory_space<hbm>> -> memref<512xi32, #tpu.memory_space<hbm>>
    %dma_start3A_22 = arith.constant 0 : i32
    %dma_start3A_23 = tpu.memref_slice %arg5[%dma_start3A_17, %dma_start3A_22] : memref<2x512xi32, #tpu.memory_space<vmem>> -> memref<1x512xi32, #tpu.memory_space<vmem>>
    %dma_start3A_24 = tpu.memref_squeeze %dma_start3A_23 : memref<1x512xi32, #tpu.memory_space<vmem>> -> memref<512xi32, #tpu.memory_space<vmem>>
    %dma_start3A_25 = tpu.memref_slice %arg3[%add3A_16] : memref<3276800xi32, #tpu.memory_space<hbm>> -> memref<512xi32, #tpu.memory_space<hbm>>
    tpu.enqueue_dma source(%dma_start3A_25 : memref<512xi32, #tpu.memory_space<hbm>>) target(%dma_start3A_24 : memref<512xi32, #tpu.memory_space<vmem>>) target_semaphore(%arg10 : memref<!tpu.dma_semaphore, #tpu.memory_space<semaphore_mem>>)
    %add3A_26 = arith.constant 0 : i32
    %add3A_27 = arith.addi %add3A_26, %mul3A_2 : i32
    %dma_wait3A = arith.constant 0 : i32
    %dma_wait3A_28 = arith.constant 0 : i32
    %dma_wait3A_29 = tpu.memref_slice %arg5[%dma_wait3A, %dma_wait3A_28] : memref<2x512xi32, #tpu.memory_space<vmem>> -> memref<1x512xi32, #tpu.memory_space<vmem>>
    %dma_wait3A_30 = tpu.memref_squeeze %dma_wait3A_29 : memref<1x512xi32, #tpu.memory_space<vmem>> -> memref<512xi32, #tpu.memory_space<vmem>>
    %dma_wait3A_31 = tpu.memref_slice %arg3[%add3A_27] : memref<3276800xi32, #tpu.memory_space<hbm>> -> memref<512xi32, #tpu.memory_space<hbm>>
    %dma_wait3A_32 = arith.constant 0 : i32
    %dma_wait3A_33 = tpu.memref_slice %arg5[%dma_wait3A, %dma_wait3A_32] : memref<2x512xi32, #tpu.memory_space<vmem>> -> memref<1x512xi32, #tpu.memory_space<vmem>>
    %dma_wait3A_34 = tpu.memref_squeeze %dma_wait3A_33 : memref<1x512xi32, #tpu.memory_space<vmem>> -> memref<512xi32, #tpu.memory_space<vmem>>
    %dma_wait3A_35 = tpu.memref_slice %arg3[%add3A_27] : memref<3276800xi32, #tpu.memory_space<hbm>> -> memref<512xi32, #tpu.memory_space<hbm>>
    tpu.wait_dma2 semaphore(%arg9 : memref<!tpu.dma_semaphore, #tpu.memory_space<semaphore_mem>>) src(%dma_wait3A_35 : memref<512xi32, #tpu.memory_space<hbm>>) dst(%dma_wait3A_34 : memref<512xi32, #tpu.memory_space<vmem>>)
    %dma_start3A_36 = arith.constant 0 : i32
    %dma_start3A_37 = arith.constant 0 : i32
    %dma_start3A_38 = arith.constant 0 : i32
    %dma_start3A_39 = arith.constant 0 : i32
    %dma_start3A_40 = tpu.memref_slice %arg6[%dma_start3A_37, %dma_start3A_38, %dma_start3A_39] : memref<2x512x16xf32, #tpu.memory_space<vmem>> -> memref<1x512x16xf32, #tpu.memory_space<vmem>>
    %dma_start3A_41 = tpu.memref_squeeze %dma_start3A_40 : memref<1x512x16xf32, #tpu.memory_space<vmem>> -> memref<512x16xf32, #tpu.memory_space<vmem>>
    %dma_start3A_42 = arith.constant 0 : i32
    %dma_start3A_43 = tpu.memref_slice %arg5[%dma_start3A_36, %dma_start3A_42] : memref<2x512xi32, #tpu.memory_space<vmem>> -> memref<1x512xi32, #tpu.memory_space<vmem>>
    %dma_start3A_44 = tpu.memref_squeeze %dma_start3A_43 : memref<1x512xi32, #tpu.memory_space<vmem>> -> memref<512xi32, #tpu.memory_space<vmem>>
    %dma_start3A_45 = arith.constant 0 : i32
    %dma_start3A_46 = arith.constant 0 : i32
    %dma_start3A_47 = tpu.memref_slice %arg2[%dma_start3A_45, %dma_start3A_46] : memref<1000000x16xf32, #tpu.memory_space<hbm>> -> memref<1000000x16xf32, #tpu.memory_space<hbm>>
    tpu.enqueue_indirect_dma source(%dma_start3A_47 : memref<1000000x16xf32, #tpu.memory_space<hbm>>) target(%dma_start3A_41 : memref<512x16xf32, #tpu.memory_space<vmem>>) offsets(%dma_start3A_44 : memref<512xi32, #tpu.memory_space<vmem>>) semaphore(%arg11 : memref<!tpu.dma_semaphore, #tpu.memory_space<semaphore_mem>>)
    %scan3A = arith.constant 0 : i32
    %scan3A_48 = arith.constant 0 : i32
    %scan3A_49 = arith.constant 100 : i32
    %scan3A_50 = arith.addi %scan3A_48, %scan3A_49 : i32
    %scan3A_51 = arith.constant 1 : i32
    scf.for %scan3A_141 = %scan3A_48 to %scan3A_50 step %scan3A_51  : i32 {
      %mul3A_142 = arith.constant 2 : i32
      %mul3A_143 = arith.muli %scan3A_141, %mul3A_142 : i32
      %add3A_144 = arith.constant 0 : i32
      %add3A_145 = arith.addi %mul3A_143, %add3A_144 : i32
      %dma_wait3A_146 = arith.constant 0 : i32
      %dma_wait3A_147 = arith.constant 0 : i32
      %dma_wait3A_148 = arith.constant 0 : i32
      %dma_wait3A_149 = arith.constant 0 : i32
      %dma_wait3A_150 = tpu.memref_slice %arg6[%dma_wait3A_147, %dma_wait3A_148, %dma_wait3A_149] : memref<2x512x16xf32, #tpu.memory_space<vmem>> -> memref<1x512x16xf32, #tpu.memory_space<vmem>>
      %dma_wait3A_151 = tpu.memref_squeeze %dma_wait3A_150 : memref<1x512x16xf32, #tpu.memory_space<vmem>> -> memref<512x16xf32, #tpu.memory_space<vmem>>
      %dma_wait3A_152 = arith.constant 0 : i32
      %dma_wait3A_153 = tpu.memref_slice %arg5[%dma_wait3A_146, %dma_wait3A_152] : memref<2x512xi32, #tpu.memory_space<vmem>> -> memref<1x512xi32, #tpu.memory_space<vmem>>
      %dma_wait3A_154 = tpu.memref_squeeze %dma_wait3A_153 : memref<1x512xi32, #tpu.memory_space<vmem>> -> memref<512xi32, #tpu.memory_space<vmem>>
      %dma_wait3A_155 = arith.constant 0 : i32
      %dma_wait3A_156 = arith.constant 0 : i32
      %dma_wait3A_157 = tpu.memref_slice %arg2[%dma_wait3A_155, %dma_wait3A_156] : memref<1000000x16xf32, #tpu.memory_space<hbm>> -> memref<1000000x16xf32, #tpu.memory_space<hbm>>
      tpu.wait_indirect_dma semaphore(%arg11 : memref<!tpu.dma_semaphore, #tpu.memory_space<semaphore_mem>>) src(%dma_wait3A_157 : memref<1000000x16xf32, #tpu.memory_space<hbm>>) dst(%dma_wait3A_151 : memref<512x16xf32, #tpu.memory_space<vmem>>)
      %add3A_158 = arith.constant 1 : i32
      %add3A_159 = arith.addi %add3A_145, %add3A_158 : i32
      %lt3A = arith.constant 200 : i32
      %lt3A_160 = arith.cmpi slt, %add3A_159, %lt3A : i32
      %convert_element_type3A = arith.extui %lt3A_160 : i1 to i32
      %cond3A = arith.constant 0 : i32
      %cond3A_161 = arith.cmpi ne, %convert_element_type3A, %cond3A : i32
      scf.if %cond3A_161 {
        %add3A_310 = arith.constant 1 : i32
        %add3A_311 = arith.addi %add3A_145, %add3A_310 : i32
        %mul3A_312 = arith.constant 16384 : i32
        %mul3A_313 = arith.muli %add3A_311, %mul3A_312 : i32
        %add3A_314 = arith.addi %mul3A_313, %mul3A_2 : i32
        %dma_wait3A_315 = arith.constant 1 : i32
        %dma_wait3A_316 = arith.constant 0 : i32
        %dma_wait3A_317 = tpu.memref_slice %arg5[%dma_wait3A_315, %dma_wait3A_316] : memref<2x512xi32, #tpu.memory_space<vmem>> -> memref<1x512xi32, #tpu.memory_space<vmem>>
        %dma_wait3A_318 = tpu.memref_squeeze %dma_wait3A_317 : memref<1x512xi32, #tpu.memory_space<vmem>> -> memref<512xi32, #tpu.memory_space<vmem>>
        %dma_wait3A_319 = tpu.memref_slice %arg3[%add3A_314] : memref<3276800xi32, #tpu.memory_space<hbm>> -> memref<512xi32, #tpu.memory_space<hbm>>
        %dma_wait3A_320 = arith.constant 0 : i32
        %dma_wait3A_321 = tpu.memref_slice %arg5[%dma_wait3A_315, %dma_wait3A_320] : memref<2x512xi32, #tpu.memory_space<vmem>> -> memref<1x512xi32, #tpu.memory_space<vmem>>
        %dma_wait3A_322 = tpu.memref_squeeze %dma_wait3A_321 : memref<1x512xi32, #tpu.memory_space<vmem>> -> memref<512xi32, #tpu.memory_space<vmem>>
        %dma_wait3A_323 = tpu.memref_slice %arg3[%add3A_314] : memref<3276800xi32, #tpu.memory_space<hbm>> -> memref<512xi32, #tpu.memory_space<hbm>>
        tpu.wait_dma2 semaphore(%arg10 : memref<!tpu.dma_semaphore, #tpu.memory_space<semaphore_mem>>) src(%dma_wait3A_323 : memref<512xi32, #tpu.memory_space<hbm>>) dst(%dma_wait3A_322 : memref<512xi32, #tpu.memory_space<vmem>>)
        %dma_start3A_324 = arith.constant 1 : i32
        %dma_start3A_325 = arith.constant 1 : i32
        %dma_start3A_326 = arith.constant 0 : i32
        %dma_start3A_327 = arith.constant 0 : i32
        %dma_start3A_328 = tpu.memref_slice %arg6[%dma_start3A_325, %dma_start3A_326, %dma_start3A_327] : memref<2x512x16xf32, #tpu.memory_space<vmem>> -> memref<1x512x16xf32, #tpu.memory_space<vmem>>
        %dma_start3A_329 = tpu.memref_squeeze %dma_start3A_328 : memref<1x512x16xf32, #tpu.memory_space<vmem>> -> memref<512x16xf32, #tpu.memory_space<vmem>>
        %dma_start3A_330 = arith.constant 0 : i32
        %dma_start3A_331 = tpu.memref_slice %arg5[%dma_start3A_324, %dma_start3A_330] : memref<2x512xi32, #tpu.memory_space<vmem>> -> memref<1x512xi32, #tpu.memory_space<vmem>>
        %dma_start3A_332 = tpu.memref_squeeze %dma_start3A_331 : memref<1x512xi32, #tpu.memory_space<vmem>> -> memref<512xi32, #tpu.memory_space<vmem>>
        %dma_start3A_333 = arith.constant 0 : i32
        %dma_start3A_334 = arith.constant 0 : i32
        %dma_start3A_335 = tpu.memref_slice %arg2[%dma_start3A_333, %dma_start3A_334] : memref<1000000x16xf32, #tpu.memory_space<hbm>> -> memref<1000000x16xf32, #tpu.memory_space<hbm>>
        tpu.enqueue_indirect_dma source(%dma_start3A_335 : memref<1000000x16xf32, #tpu.memory_space<hbm>>) target(%dma_start3A_329 : memref<512x16xf32, #tpu.memory_space<vmem>>) offsets(%dma_start3A_332 : memref<512xi32, #tpu.memory_space<vmem>>) semaphore(%arg12 : memref<!tpu.dma_semaphore, #tpu.memory_space<semaphore_mem>>)
      } else {
      }
      %add3A_162 = arith.constant 2 : i32
      %add3A_163 = arith.addi %add3A_145, %add3A_162 : i32
      %lt3A_164 = arith.constant 200 : i32
      %lt3A_165 = arith.cmpi slt, %add3A_163, %lt3A_164 : i32
      %convert_element_type3A_166 = arith.extui %lt3A_165 : i1 to i32
      %cond3A_167 = arith.constant 0 : i32
      %cond3A_168 = arith.cmpi ne, %convert_element_type3A_166, %cond3A_167 : i32
      scf.if %cond3A_168 {
        %add3A_310 = arith.constant 2 : i32
        %add3A_311 = arith.addi %add3A_145, %add3A_310 : i32
        %mul3A_312 = arith.constant 16384 : i32
        %mul3A_313 = arith.muli %add3A_311, %mul3A_312 : i32
        %add3A_314 = arith.addi %mul3A_313, %mul3A_2 : i32
        %dma_start3A_315 = arith.constant 0 : i32
        %dma_start3A_316 = arith.constant 0 : i32
        %dma_start3A_317 = tpu.memref_slice %arg5[%dma_start3A_315, %dma_start3A_316] : memref<2x512xi32, #tpu.memory_space<vmem>> -> memref<1x512xi32, #tpu.memory_space<vmem>>
        %dma_start3A_318 = tpu.memref_squeeze %dma_start3A_317 : memref<1x512xi32, #tpu.memory_space<vmem>> -> memref<512xi32, #tpu.memory_space<vmem>>
        %dma_start3A_319 = tpu.memref_slice %arg3[%add3A_314] : memref<3276800xi32, #tpu.memory_space<hbm>> -> memref<512xi32, #tpu.memory_space<hbm>>
        %dma_start3A_320 = arith.constant 0 : i32
        %dma_start3A_321 = tpu.memref_slice %arg5[%dma_start3A_315, %dma_start3A_320] : memref<2x512xi32, #tpu.memory_space<vmem>> -> memref<1x512xi32, #tpu.memory_space<vmem>>
        %dma_start3A_322 = tpu.memref_squeeze %dma_start3A_321 : memref<1x512xi32, #tpu.memory_space<vmem>> -> memref<512xi32, #tpu.memory_space<vmem>>
        %dma_start3A_323 = tpu.memref_slice %arg3[%add3A_314] : memref<3276800xi32, #tpu.memory_space<hbm>> -> memref<512xi32, #tpu.memory_space<hbm>>
        tpu.enqueue_dma source(%dma_start3A_323 : memref<512xi32, #tpu.memory_space<hbm>>) target(%dma_start3A_322 : memref<512xi32, #tpu.memory_space<vmem>>) target_semaphore(%arg9 : memref<!tpu.dma_semaphore, #tpu.memory_space<semaphore_mem>>)
      } else {
      }
      %ge3A = arith.constant 2 : i32
      %ge3A_169 = arith.cmpi sge, %add3A_145, %ge3A : i32
      %convert_element_type3A_170 = arith.extui %ge3A_169 : i1 to i32
      %cond3A_171 = arith.constant 0 : i32
      %cond3A_172 = arith.cmpi ne, %convert_element_type3A_170, %cond3A_171 : i32
      scf.if %cond3A_172 {
        %sub3A = arith.constant 2 : i32
        %sub3A_310 = arith.subi %add3A_145, %sub3A : i32
        %dma_wait3A_311 = arith.constant 0 : i32
        %dma_wait3A_312 = arith.constant 0 : i32
        %dma_wait3A_313 = arith.constant 0 : i32
        %dma_wait3A_314 = arith.constant 0 : i32
        %dma_wait3A_315 = arith.constant 0 : i32
        %dma_wait3A_316 = arith.constant 0 : i32
        %dma_wait3A_317 = tpu.memref_slice %arg8[%dma_wait3A_311, %dma_wait3A_312, %dma_wait3A_314, %dma_wait3A_315, %dma_wait3A_316] : memref<2x2x4x8x128xf32, #tpu.memory_space<vmem>> -> memref<1x1x4x8x128xf32, #tpu.memory_space<vmem>>
        %dma_wait3A_318 = tpu.memref_squeeze %dma_wait3A_317 : memref<1x1x4x8x128xf32, #tpu.memory_space<vmem>> -> memref<4x8x128xf32, #tpu.memory_space<vmem>>
        %dma_wait3A_319 = arith.constant 0 : i32
        %dma_wait3A_320 = arith.constant 0 : i32
        %dma_wait3A_321 = tpu.memref_slice %arg4[%sub3A_310, %dma_wait3A_313, %mul3A_4, %dma_wait3A_319, %dma_wait3A_320] : memref<200x2x128x8x128xf32, #tpu.memory_space<hbm>> -> memref<1x1x4x8x128xf32, #tpu.memory_space<hbm>>
        %dma_wait3A_322 = tpu.memref_squeeze %dma_wait3A_321 : memref<1x1x4x8x128xf32, #tpu.memory_space<hbm>> -> memref<4x8x128xf32, #tpu.memory_space<hbm>>
        %dma_wait3A_323 = arith.constant 0 : i32
        %dma_wait3A_324 = arith.constant 0 : i32
        %dma_wait3A_325 = tpu.memref_slice %arg4[%sub3A_310, %dma_wait3A_313, %mul3A_4, %dma_wait3A_323, %dma_wait3A_324] : memref<200x2x128x8x128xf32, #tpu.memory_space<hbm>> -> memref<1x1x4x8x128xf32, #tpu.memory_space<hbm>>
        %dma_wait3A_326 = tpu.memref_squeeze %dma_wait3A_325 : memref<1x1x4x8x128xf32, #tpu.memory_space<hbm>> -> memref<4x8x128xf32, #tpu.memory_space<hbm>>
        %dma_wait3A_327 = arith.constant 0 : i32
        %dma_wait3A_328 = arith.constant 0 : i32
        %dma_wait3A_329 = arith.constant 0 : i32
        %dma_wait3A_330 = tpu.memref_slice %arg8[%dma_wait3A_311, %dma_wait3A_312, %dma_wait3A_327, %dma_wait3A_328, %dma_wait3A_329] : memref<2x2x4x8x128xf32, #tpu.memory_space<vmem>> -> memref<1x1x4x8x128xf32, #tpu.memory_space<vmem>>
        %dma_wait3A_331 = tpu.memref_squeeze %dma_wait3A_330 : memref<1x1x4x8x128xf32, #tpu.memory_space<vmem>> -> memref<4x8x128xf32, #tpu.memory_space<vmem>>
        tpu.wait_dma2 semaphore(%arg13 : memref<!tpu.dma_semaphore, #tpu.memory_space<semaphore_mem>>) src(%dma_wait3A_331 : memref<4x8x128xf32, #tpu.memory_space<vmem>>) dst(%dma_wait3A_326 : memref<4x8x128xf32, #tpu.memory_space<hbm>>)
        %sub3A_332 = arith.constant 2 : i32
        %sub3A_333 = arith.subi %add3A_145, %sub3A_332 : i32
        %dma_wait3A_334 = arith.constant 0 : i32
        %dma_wait3A_335 = arith.constant 1 : i32
        %dma_wait3A_336 = arith.constant 1 : i32
        %dma_wait3A_337 = arith.constant 0 : i32
        %dma_wait3A_338 = arith.constant 0 : i32
        %dma_wait3A_339 = arith.constant 0 : i32
        %dma_wait3A_340 = tpu.memref_slice %arg8[%dma_wait3A_334, %dma_wait3A_335, %dma_wait3A_337, %dma_wait3A_338, %dma_wait3A_339] : memref<2x2x4x8x128xf32, #tpu.memory_space<vmem>> -> memref<1x1x4x8x128xf32, #tpu.memory_space<vmem>>
        %dma_wait3A_341 = tpu.memref_squeeze %dma_wait3A_340 : memref<1x1x4x8x128xf32, #tpu.memory_space<vmem>> -> memref<4x8x128xf32, #tpu.memory_space<vmem>>
        %dma_wait3A_342 = arith.constant 0 : i32
        %dma_wait3A_343 = arith.constant 0 : i32
        %dma_wait3A_344 = tpu.memref_slice %arg4[%sub3A_333, %dma_wait3A_336, %mul3A_4, %dma_wait3A_342, %dma_wait3A_343] : memref<200x2x128x8x128xf32, #tpu.memory_space<hbm>> -> memref<1x1x4x8x128xf32, #tpu.memory_space<hbm>>
        %dma_wait3A_345 = tpu.memref_squeeze %dma_wait3A_344 : memref<1x1x4x8x128xf32, #tpu.memory_space<hbm>> -> memref<4x8x128xf32, #tpu.memory_space<hbm>>
        %dma_wait3A_346 = arith.constant 0 : i32
        %dma_wait3A_347 = arith.constant 0 : i32
        %dma_wait3A_348 = tpu.memref_slice %arg4[%sub3A_333, %dma_wait3A_336, %mul3A_4, %dma_wait3A_346, %dma_wait3A_347] : memref<200x2x128x8x128xf32, #tpu.memory_space<hbm>> -> memref<1x1x4x8x128xf32, #tpu.memory_space<hbm>>
        %dma_wait3A_349 = tpu.memref_squeeze %dma_wait3A_348 : memref<1x1x4x8x128xf32, #tpu.memory_space<hbm>> -> memref<4x8x128xf32, #tpu.memory_space<hbm>>
        %dma_wait3A_350 = arith.constant 0 : i32
        %dma_wait3A_351 = arith.constant 0 : i32
        %dma_wait3A_352 = arith.constant 0 : i32
        %dma_wait3A_353 = tpu.memref_slice %arg8[%dma_wait3A_334, %dma_wait3A_335, %dma_wait3A_350, %dma_wait3A_351, %dma_wait3A_352] : memref<2x2x4x8x128xf32, #tpu.memory_space<vmem>> -> memref<1x1x4x8x128xf32, #tpu.memory_space<vmem>>
        %dma_wait3A_354 = tpu.memref_squeeze %dma_wait3A_353 : memref<1x1x4x8x128xf32, #tpu.memory_space<vmem>> -> memref<4x8x128xf32, #tpu.memory_space<vmem>>
        tpu.wait_dma2 semaphore(%arg13 : memref<!tpu.dma_semaphore, #tpu.memory_space<semaphore_mem>>) src(%dma_wait3A_354 : memref<4x8x128xf32, #tpu.memory_space<vmem>>) dst(%dma_wait3A_349 : memref<4x8x128xf32, #tpu.memory_space<hbm>>)
      } else {
      }
      %iota3A = tpu.iota {dimensions = array<i32: 0>} : vector<16xi32>
      %mul3A_173 = arith.constant 17 : i32
      %mul3A_174 = vector.broadcast %mul3A_173 : i32 to vector<16xi32>
      %mul3A_175 = arith.muli %iota3A, %mul3A_174 : vector<16xi32>
      %parallel_loop3A = arith.constant 0 : i32
      %parallel_loop3A_176 = arith.constant 512 : i32
      %parallel_loop3A_177 = arith.constant 1 : i32
      scf.for %parallel_loop3A_310 = %parallel_loop3A to %parallel_loop3A_176 step %parallel_loop3A_177  : i32 {
        %parallel_loop3A_311 = arith.constant 0 : i32
        %parallel_loop3A_312 = arith.index_cast %parallel_loop3A_311 : i32 to index
        %parallel_loop3A_313 = arith.index_cast %parallel_loop3A_310 : i32 to index
        %parallel_loop3A_314 = arith.constant 0 : index
        %parallel_loop3A_315 = tpu.vector_load %arg6[%parallel_loop3A_312, %parallel_loop3A_313, %parallel_loop3A_314] {strides = array<i32>} : memref<2x512x16xf32, #tpu.memory_space<vmem>>, vector<16xf32>,
        %parallel_loop3A_316 = arith.constant 17 : i32
        %parallel_loop3A_317 = arith.muli %parallel_loop3A_310, %parallel_loop3A_316 : i32
        %parallel_loop3A_318 = arith.constant 0 : i32
        %parallel_loop3A_319 = arith.index_cast %parallel_loop3A_318 : i32 to index
        %parallel_loop3A_320 = arith.index_cast %parallel_loop3A_317 : i32 to index
        %parallel_loop3A_321 = tpu.vector_load %arg7[%parallel_loop3A_319, %parallel_loop3A_320] {strides = array<i32>} : memref<2x8704xf32, #tpu.memory_space<vmem>>, vector<16xf32>,
        tpu.vector_store %arg7[%parallel_loop3A_319, %parallel_loop3A_320], %parallel_loop3A_315 {strides = array<i32>} : memref<2x8704xf32, #tpu.memory_space<vmem>>, vector<16xf32>,
      } {sc.loop_unroll_factor = 16 : i64, sc.parallel_access}
      %parallel_loop3A_178 = arith.constant 0 : i32
      %parallel_loop3A_179 = arith.constant 512 : i32
      %parallel_loop3A_180 = arith.constant 1 : i32
      scf.for %parallel_loop3A_310 = %parallel_loop3A_178 to %parallel_loop3A_179 step %parallel_loop3A_180  : i32 {
        %parallel_loop3A_311 = arith.constant 15 : i32
        %parallel_loop3A_312 = arith.andi %parallel_loop3A_310, %parallel_loop3A_311 : i32
        %parallel_loop3A_313 = arith.constant 4 : i32
        %parallel_loop3A_314 = arith.shrsi %parallel_loop3A_310, %parallel_loop3A_313 : i32
        %parallel_loop3A_315 = arith.constant 272 : i32
        %parallel_loop3A_316 = arith.muli %parallel_loop3A_314, %parallel_loop3A_315 : i32
        %parallel_loop3A_317 = arith.addi %parallel_loop3A_316, %parallel_loop3A_312 : i32
        %parallel_loop3A_318 = vector.broadcast %parallel_loop3A_317 : i32 to vector<16xi32>
        %parallel_loop3A_319 = arith.addi %mul3A_175, %parallel_loop3A_318 : vector<16xi32>
        %parallel_loop3A_320 = arith.constant 0 : i32
        %parallel_loop3A_321 = arith.constant 0 : i32
        %parallel_loop3A_322 = tpu.memref_slice %arg7[%parallel_loop3A_320, %parallel_loop3A_321] : memref<2x8704xf32, #tpu.memory_space<vmem>> -> memref<1x8704xf32, #tpu.memory_space<vmem>>
        %parallel_loop3A_323 = tpu.memref_squeeze %parallel_loop3A_322 : memref<1x8704xf32, #tpu.memory_space<vmem>> -> memref<8704xf32, #tpu.memory_space<vmem>>
        %parallel_loop3A_324 = tpu.vector_load_idx %parallel_loop3A_323[%parallel_loop3A_319] : memref<8704xf32, #tpu.memory_space<vmem>>[vector<16xi32>], vector<16xf32>,
        %parallel_loop3A_325 = arith.constant 3 : i32
        %parallel_loop3A_326 = arith.shrsi %parallel_loop3A_312, %parallel_loop3A_325 : i32
        %parallel_loop3A_327 = arith.constant 3 : i32
        %parallel_loop3A_328 = arith.shrsi %parallel_loop3A_314, %parallel_loop3A_327 : i32
        %parallel_loop3A_329 = arith.constant 7 : i32
        %parallel_loop3A_330 = arith.andi %parallel_loop3A_312, %parallel_loop3A_329 : i32
        %parallel_loop3A_331 = arith.constant 7 : i32
        %parallel_loop3A_332 = arith.andi %parallel_loop3A_314, %parallel_loop3A_331 : i32
        %parallel_loop3A_333 = arith.constant 16 : i32
        %parallel_loop3A_334 = arith.muli %parallel_loop3A_332, %parallel_loop3A_333 : i32
        %parallel_loop3A_335 = arith.constant 0 : i32
        %parallel_loop3A_336 = arith.index_cast %parallel_loop3A_335 : i32 to index
        %parallel_loop3A_337 = arith.index_cast %parallel_loop3A_326 : i32 to index
        %parallel_loop3A_338 = arith.index_cast %parallel_loop3A_328 : i32 to index
        %parallel_loop3A_339 = arith.index_cast %parallel_loop3A_330 : i32 to index
        %parallel_loop3A_340 = arith.index_cast %parallel_loop3A_334 : i32 to index
        %parallel_loop3A_341 = tpu.vector_load %arg8[%parallel_loop3A_336, %parallel_loop3A_337, %parallel_loop3A_338, %parallel_loop3A_339, %parallel_loop3A_340] {strides = array<i32>} : memref<2x2x4x8x128xf32, #tpu.memory_space<vmem>>, vector<16xf32>,
        tpu.vector_store %arg8[%parallel_loop3A_336, %parallel_loop3A_337, %parallel_loop3A_338, %parallel_loop3A_339, %parallel_loop3A_340], %parallel_loop3A_324 {strides = array<i32>} : memref<2x2x4x8x128xf32, #tpu.memory_space<vmem>>, vector<16xf32>,
      } {sc.loop_unroll_factor = 16 : i64, sc.parallel_access}
      %dma_start3A_181 = arith.constant 0 : i32
      %dma_start3A_182 = arith.constant 0 : i32
      %dma_start3A_183 = arith.constant 0 : i32
      %dma_start3A_184 = arith.constant 0 : i32
      %dma_start3A_185 = arith.constant 0 : i32
      %dma_start3A_186 = arith.constant 0 : i32
      %dma_start3A_187 = tpu.memref_slice %arg8[%dma_start3A_181, %dma_start3A_182, %dma_start3A_184, %dma_start3A_185, %dma_start3A_186] : memref<2x2x4x8x128xf32, #tpu.memory_space<vmem>> -> memref<1x1x4x8x128xf32, #tpu.memory_space<vmem>>
      %dma_start3A_188 = tpu.memref_squeeze %dma_start3A_187 : memref<1x1x4x8x128xf32, #tpu.memory_space<vmem>> -> memref<4x8x128xf32, #tpu.memory_space<vmem>>
      %dma_start3A_189 = arith.constant 0 : i32
      %dma_start3A_190 = arith.constant 0 : i32
      %dma_start3A_191 = tpu.memref_slice %arg4[%add3A_145, %dma_start3A_183, %mul3A_4, %dma_start3A_189, %dma_start3A_190] : memref<200x2x128x8x128xf32, #tpu.memory_space<hbm>> -> memref<1x1x4x8x128xf32, #tpu.memory_space<hbm>>
      %dma_start3A_192 = tpu.memref_squeeze %dma_start3A_191 : memref<1x1x4x8x128xf32, #tpu.memory_space<hbm>> -> memref<4x8x128xf32, #tpu.memory_space<hbm>>
      %dma_start3A_193 = arith.constant 0 : i32
      %dma_start3A_194 = arith.constant 0 : i32
      %dma_start3A_195 = tpu.memref_slice %arg4[%add3A_145, %dma_start3A_183, %mul3A_4, %dma_start3A_193, %dma_start3A_194] : memref<200x2x128x8x128xf32, #tpu.memory_space<hbm>> -> memref<1x1x4x8x128xf32, #tpu.memory_space<hbm>>
      %dma_start3A_196 = tpu.memref_squeeze %dma_start3A_195 : memref<1x1x4x8x128xf32, #tpu.memory_space<hbm>> -> memref<4x8x128xf32, #tpu.memory_space<hbm>>
      %dma_start3A_197 = arith.constant 0 : i32
      %dma_start3A_198 = arith.constant 0 : i32
      %dma_start3A_199 = arith.constant 0 : i32
      %dma_start3A_200 = tpu.memref_slice %arg8[%dma_start3A_181, %dma_start3A_182, %dma_start3A_197, %dma_start3A_198, %dma_start3A_199] : memref<2x2x4x8x128xf32, #tpu.memory_space<vmem>> -> memref<1x1x4x8x128xf32, #tpu.memory_space<vmem>>
      %dma_start3A_201 = tpu.memref_squeeze %dma_start3A_200 : memref<1x1x4x8x128xf32, #tpu.memory_space<vmem>> -> memref<4x8x128xf32, #tpu.memory_space<vmem>>
      tpu.enqueue_dma source(%dma_start3A_201 : memref<4x8x128xf32, #tpu.memory_space<vmem>>) target(%dma_start3A_196 : memref<4x8x128xf32, #tpu.memory_space<hbm>>) target_semaphore(%arg13 : memref<!tpu.dma_semaphore, #tpu.memory_space<semaphore_mem>>)
      %dma_start3A_202 = arith.constant 0 : i32
      %dma_start3A_203 = arith.constant 1 : i32
      %dma_start3A_204 = arith.constant 1 : i32
      %dma_start3A_205 = arith.constant 0 : i32
      %dma_start3A_206 = arith.constant 0 : i32
      %dma_start3A_207 = arith.constant 0 : i32
      %dma_start3A_208 = tpu.memref_slice %arg8[%dma_start3A_202, %dma_start3A_203, %dma_start3A_205, %dma_start3A_206, %dma_start3A_207] : memref<2x2x4x8x128xf32, #tpu.memory_space<vmem>> -> memref<1x1x4x8x128xf32, #tpu.memory_space<vmem>>
      %dma_start3A_209 = tpu.memref_squeeze %dma_start3A_208 : memref<1x1x4x8x128xf32, #tpu.memory_space<vmem>> -> memref<4x8x128xf32, #tpu.memory_space<vmem>>
      %dma_start3A_210 = arith.constant 0 : i32
      %dma_start3A_211 = arith.constant 0 : i32
      %dma_start3A_212 = tpu.memref_slice %arg4[%add3A_145, %dma_start3A_204, %mul3A_4, %dma_start3A_210, %dma_start3A_211] : memref<200x2x128x8x128xf32, #tpu.memory_space<hbm>> -> memref<1x1x4x8x128xf32, #tpu.memory_space<hbm>>
      %dma_start3A_213 = tpu.memref_squeeze %dma_start3A_212 : memref<1x1x4x8x128xf32, #tpu.memory_space<hbm>> -> memref<4x8x128xf32, #tpu.memory_space<hbm>>
      %dma_start3A_214 = arith.constant 0 : i32
      %dma_start3A_215 = arith.constant 0 : i32
      %dma_start3A_216 = tpu.memref_slice %arg4[%add3A_145, %dma_start3A_204, %mul3A_4, %dma_start3A_214, %dma_start3A_215] : memref<200x2x128x8x128xf32, #tpu.memory_space<hbm>> -> memref<1x1x4x8x128xf32, #tpu.memory_space<hbm>>
      %dma_start3A_217 = tpu.memref_squeeze %dma_start3A_216 : memref<1x1x4x8x128xf32, #tpu.memory_space<hbm>> -> memref<4x8x128xf32, #tpu.memory_space<hbm>>
      %dma_start3A_218 = arith.constant 0 : i32
      %dma_start3A_219 = arith.constant 0 : i32
      %dma_start3A_220 = arith.constant 0 : i32
      %dma_start3A_221 = tpu.memref_slice %arg8[%dma_start3A_202, %dma_start3A_203, %dma_start3A_218, %dma_start3A_219, %dma_start3A_220] : memref<2x2x4x8x128xf32, #tpu.memory_space<vmem>> -> memref<1x1x4x8x128xf32, #tpu.memory_space<vmem>>
      %dma_start3A_222 = tpu.memref_squeeze %dma_start3A_221 : memref<1x1x4x8x128xf32, #tpu.memory_space<vmem>> -> memref<4x8x128xf32, #tpu.memory_space<vmem>>
      tpu.enqueue_dma source(%dma_start3A_222 : memref<4x8x128xf32, #tpu.memory_space<vmem>>) target(%dma_start3A_217 : memref<4x8x128xf32, #tpu.memory_space<hbm>>) target_semaphore(%arg13 : memref<!tpu.dma_semaphore, #tpu.memory_space<semaphore_mem>>)
      %mul3A_223 = arith.constant 2 : i32
      %mul3A_224 = arith.muli %scan3A_141, %mul3A_223 : i32
      %add3A_225 = arith.constant 1 : i32
      %add3A_226 = arith.addi %mul3A_224, %add3A_225 : i32
      %dma_wait3A_227 = arith.constant 1 : i32
      %dma_wait3A_228 = arith.constant 1 : i32
      %dma_wait3A_229 = arith.constant 0 : i32
      %dma_wait3A_230 = arith.constant 0 : i32
      %dma_wait3A_231 = tpu.memref_slice %arg6[%dma_wait3A_228, %dma_wait3A_229, %dma_wait3A_230] : memref<2x512x16xf32, #tpu.memory_space<vmem>> -> memref<1x512x16xf32, #tpu.memory_space<vmem>>
      %dma_wait3A_232 = tpu.memref_squeeze %dma_wait3A_231 : memref<1x512x16xf32, #tpu.memory_space<vmem>> -> memref<512x16xf32, #tpu.memory_space<vmem>>
      %dma_wait3A_233 = arith.constant 0 : i32
      %dma_wait3A_234 = tpu.memref_slice %arg5[%dma_wait3A_227, %dma_wait3A_233] : memref<2x512xi32, #tpu.memory_space<vmem>> -> memref<1x512xi32, #tpu.memory_space<vmem>>
      %dma_wait3A_235 = tpu.memref_squeeze %dma_wait3A_234 : memref<1x512xi32, #tpu.memory_space<vmem>> -> memref<512xi32, #tpu.memory_space<vmem>>
      %dma_wait3A_236 = arith.constant 0 : i32
      %dma_wait3A_237 = arith.constant 0 : i32
      %dma_wait3A_238 = tpu.memref_slice %arg2[%dma_wait3A_236, %dma_wait3A_237] : memref<1000000x16xf32, #tpu.memory_space<hbm>> -> memref<1000000x16xf32, #tpu.memory_space<hbm>>
      tpu.wait_indirect_dma semaphore(%arg12 : memref<!tpu.dma_semaphore, #tpu.memory_space<semaphore_mem>>) src(%dma_wait3A_238 : memref<1000000x16xf32, #tpu.memory_space<hbm>>) dst(%dma_wait3A_232 : memref<512x16xf32, #tpu.memory_space<vmem>>)
      %add3A_239 = arith.constant 1 : i32
      %add3A_240 = arith.addi %add3A_226, %add3A_239 : i32
      %lt3A_241 = arith.constant 200 : i32
      %lt3A_242 = arith.cmpi slt, %add3A_240, %lt3A_241 : i32
      %convert_element_type3A_243 = arith.extui %lt3A_242 : i1 to i32
      %cond3A_244 = arith.constant 0 : i32
      %cond3A_245 = arith.cmpi ne, %convert_element_type3A_243, %cond3A_244 : i32
      scf.if %cond3A_245 {
        %add3A_310 = arith.constant 1 : i32
        %add3A_311 = arith.addi %add3A_226, %add3A_310 : i32
        %mul3A_312 = arith.constant 16384 : i32
        %mul3A_313 = arith.muli %add3A_311, %mul3A_312 : i32
        %add3A_314 = arith.addi %mul3A_313, %mul3A_2 : i32
        %dma_wait3A_315 = arith.constant 0 : i32
        %dma_wait3A_316 = arith.constant 0 : i32
        %dma_wait3A_317 = tpu.memref_slice %arg5[%dma_wait3A_315, %dma_wait3A_316] : memref<2x512xi32, #tpu.memory_space<vmem>> -> memref<1x512xi32, #tpu.memory_space<vmem>>
        %dma_wait3A_318 = tpu.memref_squeeze %dma_wait3A_317 : memref<1x512xi32, #tpu.memory_space<vmem>> -> memref<512xi32, #tpu.memory_space<vmem>>
        %dma_wait3A_319 = tpu.memref_slice %arg3[%add3A_314] : memref<3276800xi32, #tpu.memory_space<hbm>> -> memref<512xi32, #tpu.memory_space<hbm>>
        %dma_wait3A_320 = arith.constant 0 : i32
        %dma_wait3A_321 = tpu.memref_slice %arg5[%dma_wait3A_315, %dma_wait3A_320] : memref<2x512xi32, #tpu.memory_space<vmem>> -> memref<1x512xi32, #tpu.memory_space<vmem>>
        %dma_wait3A_322 = tpu.memref_squeeze %dma_wait3A_321 : memref<1x512xi32, #tpu.memory_space<vmem>> -> memref<512xi32, #tpu.memory_space<vmem>>
        %dma_wait3A_323 = tpu.memref_slice %arg3[%add3A_314] : memref<3276800xi32, #tpu.memory_space<hbm>> -> memref<512xi32, #tpu.memory_space<hbm>>
        tpu.wait_dma2 semaphore(%arg9 : memref<!tpu.dma_semaphore, #tpu.memory_space<semaphore_mem>>) src(%dma_wait3A_323 : memref<512xi32, #tpu.memory_space<hbm>>) dst(%dma_wait3A_322 : memref<512xi32, #tpu.memory_space<vmem>>)
        %dma_start3A_324 = arith.constant 0 : i32
        %dma_start3A_325 = arith.constant 0 : i32
        %dma_start3A_326 = arith.constant 0 : i32
        %dma_start3A_327 = arith.constant 0 : i32
        %dma_start3A_328 = tpu.memref_slice %arg6[%dma_start3A_325, %dma_start3A_326, %dma_start3A_327] : memref<2x512x16xf32, #tpu.memory_space<vmem>> -> memref<1x512x16xf32, #tpu.memory_space<vmem>>
        %dma_start3A_329 = tpu.memref_squeeze %dma_start3A_328 : memref<1x512x16xf32, #tpu.memory_space<vmem>> -> memref<512x16xf32, #tpu.memory_space<vmem>>
        %dma_start3A_330 = arith.constant 0 : i32
        %dma_start3A_331 = tpu.memref_slice %arg5[%dma_start3A_324, %dma_start3A_330] : memref<2x512xi32, #tpu.memory_space<vmem>> -> memref<1x512xi32, #tpu.memory_space<vmem>>
        %dma_start3A_332 = tpu.memref_squeeze %dma_start3A_331 : memref<1x512xi32, #tpu.memory_space<vmem>> -> memref<512xi32, #tpu.memory_space<vmem>>
        %dma_start3A_333 = arith.constant 0 : i32
        %dma_start3A_334 = arith.constant 0 : i32
        %dma_start3A_335 = tpu.memref_slice %arg2[%dma_start3A_333, %dma_start3A_334] : memref<1000000x16xf32, #tpu.memory_space<hbm>> -> memref<1000000x16xf32, #tpu.memory_space<hbm>>
        tpu.enqueue_indirect_dma source(%dma_start3A_335 : memref<1000000x16xf32, #tpu.memory_space<hbm>>) target(%dma_start3A_329 : memref<512x16xf32, #tpu.memory_space<vmem>>) offsets(%dma_start3A_332 : memref<512xi32, #tpu.memory_space<vmem>>) semaphore(%arg11 : memref<!tpu.dma_semaphore, #tpu.memory_space<semaphore_mem>>)
      } else {
      }
      %add3A_246 = arith.constant 2 : i32
      %add3A_247 = arith.addi %add3A_226, %add3A_246 : i32
      %lt3A_248 = arith.constant 200 : i32
      %lt3A_249 = arith.cmpi slt, %add3A_247, %lt3A_248 : i32
      %convert_element_type3A_250 = arith.extui %lt3A_249 : i1 to i32
      %cond3A_251 = arith.constant 0 : i32
      %cond3A_252 = arith.cmpi ne, %convert_element_type3A_250, %cond3A_251 : i32
      scf.if %cond3A_252 {
        %add3A_310 = arith.constant 2 : i32
        %add3A_311 = arith.addi %add3A_226, %add3A_310 : i32
        %mul3A_312 = arith.constant 16384 : i32
        %mul3A_313 = arith.muli %add3A_311, %mul3A_312 : i32
        %add3A_314 = arith.addi %mul3A_313, %mul3A_2 : i32
        %dma_start3A_315 = arith.constant 1 : i32
        %dma_start3A_316 = arith.constant 0 : i32
        %dma_start3A_317 = tpu.memref_slice %arg5[%dma_start3A_315, %dma_start3A_316] : memref<2x512xi32, #tpu.memory_space<vmem>> -> memref<1x512xi32, #tpu.memory_space<vmem>>
        %dma_start3A_318 = tpu.memref_squeeze %dma_start3A_317 : memref<1x512xi32, #tpu.memory_space<vmem>> -> memref<512xi32, #tpu.memory_space<vmem>>
        %dma_start3A_319 = tpu.memref_slice %arg3[%add3A_314] : memref<3276800xi32, #tpu.memory_space<hbm>> -> memref<512xi32, #tpu.memory_space<hbm>>
        %dma_start3A_320 = arith.constant 0 : i32
        %dma_start3A_321 = tpu.memref_slice %arg5[%dma_start3A_315, %dma_start3A_320] : memref<2x512xi32, #tpu.memory_space<vmem>> -> memref<1x512xi32, #tpu.memory_space<vmem>>
        %dma_start3A_322 = tpu.memref_squeeze %dma_start3A_321 : memref<1x512xi32, #tpu.memory_space<vmem>> -> memref<512xi32, #tpu.memory_space<vmem>>
        %dma_start3A_323 = tpu.memref_slice %arg3[%add3A_314] : memref<3276800xi32, #tpu.memory_space<hbm>> -> memref<512xi32, #tpu.memory_space<hbm>>
        tpu.enqueue_dma source(%dma_start3A_323 : memref<512xi32, #tpu.memory_space<hbm>>) target(%dma_start3A_322 : memref<512xi32, #tpu.memory_space<vmem>>) target_semaphore(%arg10 : memref<!tpu.dma_semaphore, #tpu.memory_space<semaphore_mem>>)
      } else {
      }
      %ge3A_253 = arith.constant 2 : i32
      %ge3A_254 = arith.cmpi sge, %add3A_226, %ge3A_253 : i32
      %convert_element_type3A_255 = arith.extui %ge3A_254 : i1 to i32
      %cond3A_256 = arith.constant 0 : i32
      %cond3A_257 = arith.cmpi ne, %convert_element_type3A_255, %cond3A_256 : i32
      scf.if %cond3A_257 {
        %sub3A = arith.constant 2 : i32
        %sub3A_310 = arith.subi %add3A_226, %sub3A : i32
        %dma_wait3A_311 = arith.constant 1 : i32
        %dma_wait3A_312 = arith.constant 0 : i32
        %dma_wait3A_313 = arith.constant 0 : i32
        %dma_wait3A_314 = arith.constant 0 : i32
        %dma_wait3A_315 = arith.constant 0 : i32
        %dma_wait3A_316 = arith.constant 0 : i32
        %dma_wait3A_317 = tpu.memref_slice %arg8[%dma_wait3A_311, %dma_wait3A_312, %dma_wait3A_314, %dma_wait3A_315, %dma_wait3A_316] : memref<2x2x4x8x128xf32, #tpu.memory_space<vmem>> -> memref<1x1x4x8x128xf32, #tpu.memory_space<vmem>>
        %dma_wait3A_318 = tpu.memref_squeeze %dma_wait3A_317 : memref<1x1x4x8x128xf32, #tpu.memory_space<vmem>> -> memref<4x8x128xf32, #tpu.memory_space<vmem>>
        %dma_wait3A_319 = arith.constant 0 : i32
        %dma_wait3A_320 = arith.constant 0 : i32
        %dma_wait3A_321 = tpu.memref_slice %arg4[%sub3A_310, %dma_wait3A_313, %mul3A_4, %dma_wait3A_319, %dma_wait3A_320] : memref<200x2x128x8x128xf32, #tpu.memory_space<hbm>> -> memref<1x1x4x8x128xf32, #tpu.memory_space<hbm>>
        %dma_wait3A_322 = tpu.memref_squeeze %dma_wait3A_321 : memref<1x1x4x8x128xf32, #tpu.memory_space<hbm>> -> memref<4x8x128xf32, #tpu.memory_space<hbm>>
        %dma_wait3A_323 = arith.constant 0 : i32
        %dma_wait3A_324 = arith.constant 0 : i32
        %dma_wait3A_325 = tpu.memref_slice %arg4[%sub3A_310, %dma_wait3A_313, %mul3A_4, %dma_wait3A_323, %dma_wait3A_324] : memref<200x2x128x8x128xf32, #tpu.memory_space<hbm>> -> memref<1x1x4x8x128xf32, #tpu.memory_space<hbm>>
        %dma_wait3A_326 = tpu.memref_squeeze %dma_wait3A_325 : memref<1x1x4x8x128xf32, #tpu.memory_space<hbm>> -> memref<4x8x128xf32, #tpu.memory_space<hbm>>
        %dma_wait3A_327 = arith.constant 0 : i32
        %dma_wait3A_328 = arith.constant 0 : i32
        %dma_wait3A_329 = arith.constant 0 : i32
        %dma_wait3A_330 = tpu.memref_slice %arg8[%dma_wait3A_311, %dma_wait3A_312, %dma_wait3A_327, %dma_wait3A_328, %dma_wait3A_329] : memref<2x2x4x8x128xf32, #tpu.memory_space<vmem>> -> memref<1x1x4x8x128xf32, #tpu.memory_space<vmem>>
        %dma_wait3A_331 = tpu.memref_squeeze %dma_wait3A_330 : memref<1x1x4x8x128xf32, #tpu.memory_space<vmem>> -> memref<4x8x128xf32, #tpu.memory_space<vmem>>
        tpu.wait_dma2 semaphore(%arg14 : memref<!tpu.dma_semaphore, #tpu.memory_space<semaphore_mem>>) src(%dma_wait3A_331 : memref<4x8x128xf32, #tpu.memory_space<vmem>>) dst(%dma_wait3A_326 : memref<4x8x128xf32, #tpu.memory_space<hbm>>)
        %sub3A_332 = arith.constant 2 : i32
        %sub3A_333 = arith.subi %add3A_226, %sub3A_332 : i32
        %dma_wait3A_334 = arith.constant 1 : i32
        %dma_wait3A_335 = arith.constant 1 : i32
        %dma_wait3A_336 = arith.constant 1 : i32
        %dma_wait3A_337 = arith.constant 0 : i32
        %dma_wait3A_338 = arith.constant 0 : i32
        %dma_wait3A_339 = arith.constant 0 : i32
        %dma_wait3A_340 = tpu.memref_slice %arg8[%dma_wait3A_334, %dma_wait3A_335, %dma_wait3A_337, %dma_wait3A_338, %dma_wait3A_339] : memref<2x2x4x8x128xf32, #tpu.memory_space<vmem>> -> memref<1x1x4x8x128xf32, #tpu.memory_space<vmem>>
        %dma_wait3A_341 = tpu.memref_squeeze %dma_wait3A_340 : memref<1x1x4x8x128xf32, #tpu.memory_space<vmem>> -> memref<4x8x128xf32, #tpu.memory_space<vmem>>
        %dma_wait3A_342 = arith.constant 0 : i32
        %dma_wait3A_343 = arith.constant 0 : i32
        %dma_wait3A_344 = tpu.memref_slice %arg4[%sub3A_333, %dma_wait3A_336, %mul3A_4, %dma_wait3A_342, %dma_wait3A_343] : memref<200x2x128x8x128xf32, #tpu.memory_space<hbm>> -> memref<1x1x4x8x128xf32, #tpu.memory_space<hbm>>
        %dma_wait3A_345 = tpu.memref_squeeze %dma_wait3A_344 : memref<1x1x4x8x128xf32, #tpu.memory_space<hbm>> -> memref<4x8x128xf32, #tpu.memory_space<hbm>>
        %dma_wait3A_346 = arith.constant 0 : i32
        %dma_wait3A_347 = arith.constant 0 : i32
        %dma_wait3A_348 = tpu.memref_slice %arg4[%sub3A_333, %dma_wait3A_336, %mul3A_4, %dma_wait3A_346, %dma_wait3A_347] : memref<200x2x128x8x128xf32, #tpu.memory_space<hbm>> -> memref<1x1x4x8x128xf32, #tpu.memory_space<hbm>>
        %dma_wait3A_349 = tpu.memref_squeeze %dma_wait3A_348 : memref<1x1x4x8x128xf32, #tpu.memory_space<hbm>> -> memref<4x8x128xf32, #tpu.memory_space<hbm>>
        %dma_wait3A_350 = arith.constant 0 : i32
        %dma_wait3A_351 = arith.constant 0 : i32
        %dma_wait3A_352 = arith.constant 0 : i32
        %dma_wait3A_353 = tpu.memref_slice %arg8[%dma_wait3A_334, %dma_wait3A_335, %dma_wait3A_350, %dma_wait3A_351, %dma_wait3A_352] : memref<2x2x4x8x128xf32, #tpu.memory_space<vmem>> -> memref<1x1x4x8x128xf32, #tpu.memory_space<vmem>>
        %dma_wait3A_354 = tpu.memref_squeeze %dma_wait3A_353 : memref<1x1x4x8x128xf32, #tpu.memory_space<vmem>> -> memref<4x8x128xf32, #tpu.memory_space<vmem>>
        tpu.wait_dma2 semaphore(%arg14 : memref<!tpu.dma_semaphore, #tpu.memory_space<semaphore_mem>>) src(%dma_wait3A_354 : memref<4x8x128xf32, #tpu.memory_space<vmem>>) dst(%dma_wait3A_349 : memref<4x8x128xf32, #tpu.memory_space<hbm>>)
      } else {
      }
      %iota3A_258 = tpu.iota {dimensions = array<i32: 0>} : vector<16xi32>
      %mul3A_259 = arith.constant 17 : i32
      %mul3A_260 = vector.broadcast %mul3A_259 : i32 to vector<16xi32>
      %mul3A_261 = arith.muli %iota3A_258, %mul3A_260 : vector<16xi32>
      %parallel_loop3A_262 = arith.constant 0 : i32
      %parallel_loop3A_263 = arith.constant 512 : i32
      %parallel_loop3A_264 = arith.constant 1 : i32
      scf.for %parallel_loop3A_310 = %parallel_loop3A_262 to %parallel_loop3A_263 step %parallel_loop3A_264  : i32 {
        %parallel_loop3A_311 = arith.constant 1 : i32
        %parallel_loop3A_312 = arith.index_cast %parallel_loop3A_311 : i32 to index
        %parallel_loop3A_313 = arith.index_cast %parallel_loop3A_310 : i32 to index
        %parallel_loop3A_314 = arith.constant 0 : index
        %parallel_loop3A_315 = tpu.vector_load %arg6[%parallel_loop3A_312, %parallel_loop3A_313, %parallel_loop3A_314] {strides = array<i32>} : memref<2x512x16xf32, #tpu.memory_space<vmem>>, vector<16xf32>,
        %parallel_loop3A_316 = arith.constant 17 : i32
        %parallel_loop3A_317 = arith.muli %parallel_loop3A_310, %parallel_loop3A_316 : i32
        %parallel_loop3A_318 = arith.constant 1 : i32
        %parallel_loop3A_319 = arith.index_cast %parallel_loop3A_318 : i32 to index
        %parallel_loop3A_320 = arith.index_cast %parallel_loop3A_317 : i32 to index
        %parallel_loop3A_321 = tpu.vector_load %arg7[%parallel_loop3A_319, %parallel_loop3A_320] {strides = array<i32>} : memref<2x8704xf32, #tpu.memory_space<vmem>>, vector<16xf32>,
        tpu.vector_store %arg7[%parallel_loop3A_319, %parallel_loop3A_320], %parallel_loop3A_315 {strides = array<i32>} : memref<2x8704xf32, #tpu.memory_space<vmem>>, vector<16xf32>,
      } {sc.loop_unroll_factor = 16 : i64, sc.parallel_access}
      %parallel_loop3A_265 = arith.constant 0 : i32
      %parallel_loop3A_266 = arith.constant 512 : i32
      %parallel_loop3A_267 = arith.constant 1 : i32
      scf.for %parallel_loop3A_310 = %parallel_loop3A_265 to %parallel_loop3A_266 step %parallel_loop3A_267  : i32 {
        %parallel_loop3A_311 = arith.constant 15 : i32
        %parallel_loop3A_312 = arith.andi %parallel_loop3A_310, %parallel_loop3A_311 : i32
        %parallel_loop3A_313 = arith.constant 4 : i32
        %parallel_loop3A_314 = arith.shrsi %parallel_loop3A_310, %parallel_loop3A_313 : i32
        %parallel_loop3A_315 = arith.constant 272 : i32
        %parallel_loop3A_316 = arith.muli %parallel_loop3A_314, %parallel_loop3A_315 : i32
        %parallel_loop3A_317 = arith.addi %parallel_loop3A_316, %parallel_loop3A_312 : i32
        %parallel_loop3A_318 = vector.broadcast %parallel_loop3A_317 : i32 to vector<16xi32>
        %parallel_loop3A_319 = arith.addi %mul3A_261, %parallel_loop3A_318 : vector<16xi32>
        %parallel_loop3A_320 = arith.constant 1 : i32
        %parallel_loop3A_321 = arith.constant 0 : i32
        %parallel_loop3A_322 = tpu.memref_slice %arg7[%parallel_loop3A_320, %parallel_loop3A_321] : memref<2x8704xf32, #tpu.memory_space<vmem>> -> memref<1x8704xf32, #tpu.memory_space<vmem>>
        %parallel_loop3A_323 = tpu.memref_squeeze %parallel_loop3A_322 : memref<1x8704xf32, #tpu.memory_space<vmem>> -> memref<8704xf32, #tpu.memory_space<vmem>>
        %parallel_loop3A_324 = tpu.vector_load_idx %parallel_loop3A_323[%parallel_loop3A_319] : memref<8704xf32, #tpu.memory_space<vmem>>[vector<16xi32>], vector<16xf32>,
        %parallel_loop3A_325 = arith.constant 3 : i32
        %parallel_loop3A_326 = arith.shrsi %parallel_loop3A_312, %parallel_loop3A_325 : i32
        %parallel_loop3A_327 = arith.constant 3 : i32
        %parallel_loop3A_328 = arith.shrsi %parallel_loop3A_314, %parallel_loop3A_327 : i32
        %parallel_loop3A_329 = arith.constant 7 : i32
        %parallel_loop3A_330 = arith.andi %parallel_loop3A_312, %parallel_loop3A_329 : i32
        %parallel_loop3A_331 = arith.constant 7 : i32
        %parallel_loop3A_332 = arith.andi %parallel_loop3A_314, %parallel_loop3A_331 : i32
        %parallel_loop3A_333 = arith.constant 16 : i32
        %parallel_loop3A_334 = arith.muli %parallel_loop3A_332, %parallel_loop3A_333 : i32
        %parallel_loop3A_335 = arith.constant 1 : i32
        %parallel_loop3A_336 = arith.index_cast %parallel_loop3A_335 : i32 to index
        %parallel_loop3A_337 = arith.index_cast %parallel_loop3A_326 : i32 to index
        %parallel_loop3A_338 = arith.index_cast %parallel_loop3A_328 : i32 to index
        %parallel_loop3A_339 = arith.index_cast %parallel_loop3A_330 : i32 to index
        %parallel_loop3A_340 = arith.index_cast %parallel_loop3A_334 : i32 to index
        %parallel_loop3A_341 = tpu.vector_load %arg8[%parallel_loop3A_336, %parallel_loop3A_337, %parallel_loop3A_338, %parallel_loop3A_339, %parallel_loop3A_340] {strides = array<i32>} : memref<2x2x4x8x128xf32, #tpu.memory_space<vmem>>, vector<16xf32>,
        tpu.vector_store %arg8[%parallel_loop3A_336, %parallel_loop3A_337, %parallel_loop3A_338, %parallel_loop3A_339, %parallel_loop3A_340], %parallel_loop3A_324 {strides = array<i32>} : memref<2x2x4x8x128xf32, #tpu.memory_space<vmem>>, vector<16xf32>,
      } {sc.loop_unroll_factor = 16 : i64, sc.parallel_access}
      %dma_start3A_268 = arith.constant 1 : i32
      %dma_start3A_269 = arith.constant 0 : i32
      %dma_start3A_270 = arith.constant 0 : i32
      %dma_start3A_271 = arith.constant 0 : i32
      %dma_start3A_272 = arith.constant 0 : i32
      %dma_start3A_273 = arith.constant 0 : i32
      %dma_start3A_274 = tpu.memref_slice %arg8[%dma_start3A_268, %dma_start3A_269, %dma_start3A_271, %dma_start3A_272, %dma_start3A_273] : memref<2x2x4x8x128xf32, #tpu.memory_space<vmem>> -> memref<1x1x4x8x128xf32, #tpu.memory_space<vmem>>
      %dma_start3A_275 = tpu.memref_squeeze %dma_start3A_274 : memref<1x1x4x8x128xf32, #tpu.memory_space<vmem>> -> memref<4x8x128xf32, #tpu.memory_space<vmem>>
      %dma_start3A_276 = arith.constant 0 : i32
      %dma_start3A_277 = arith.constant 0 : i32
      %dma_start3A_278 = tpu.memref_slice %arg4[%add3A_226, %dma_start3A_270, %mul3A_4, %dma_start3A_276, %dma_start3A_277] : memref<200x2x128x8x128xf32, #tpu.memory_space<hbm>> -> memref<1x1x4x8x128xf32, #tpu.memory_space<hbm>>
      %dma_start3A_279 = tpu.memref_squeeze %dma_start3A_278 : memref<1x1x4x8x128xf32, #tpu.memory_space<hbm>> -> memref<4x8x128xf32, #tpu.memory_space<hbm>>
      %dma_start3A_280 = arith.constant 0 : i32
      %dma_start3A_281 = arith.constant 0 : i32
      %dma_start3A_282 = tpu.memref_slice %arg4[%add3A_226, %dma_start3A_270, %mul3A_4, %dma_start3A_280, %dma_start3A_281] : memref<200x2x128x8x128xf32, #tpu.memory_space<hbm>> -> memref<1x1x4x8x128xf32, #tpu.memory_space<hbm>>
      %dma_start3A_283 = tpu.memref_squeeze %dma_start3A_282 : memref<1x1x4x8x128xf32, #tpu.memory_space<hbm>> -> memref<4x8x128xf32, #tpu.memory_space<hbm>>
      %dma_start3A_284 = arith.constant 0 : i32
      %dma_start3A_285 = arith.constant 0 : i32
      %dma_start3A_286 = arith.constant 0 : i32
      %dma_start3A_287 = tpu.memref_slice %arg8[%dma_start3A_268, %dma_start3A_269, %dma_start3A_284, %dma_start3A_285, %dma_start3A_286] : memref<2x2x4x8x128xf32, #tpu.memory_space<vmem>> -> memref<1x1x4x8x128xf32, #tpu.memory_space<vmem>>
      %dma_start3A_288 = tpu.memref_squeeze %dma_start3A_287 : memref<1x1x4x8x128xf32, #tpu.memory_space<vmem>> -> memref<4x8x128xf32, #tpu.memory_space<vmem>>
      tpu.enqueue_dma source(%dma_start3A_288 : memref<4x8x128xf32, #tpu.memory_space<vmem>>) target(%dma_start3A_283 : memref<4x8x128xf32, #tpu.memory_space<hbm>>) target_semaphore(%arg14 : memref<!tpu.dma_semaphore, #tpu.memory_space<semaphore_mem>>)
      %dma_start3A_289 = arith.constant 1 : i32
      %dma_start3A_290 = arith.constant 1 : i32
      %dma_start3A_291 = arith.constant 1 : i32
      %dma_start3A_292 = arith.constant 0 : i32
      %dma_start3A_293 = arith.constant 0 : i32
      %dma_start3A_294 = arith.constant 0 : i32
      %dma_start3A_295 = tpu.memref_slice %arg8[%dma_start3A_289, %dma_start3A_290, %dma_start3A_292, %dma_start3A_293, %dma_start3A_294] : memref<2x2x4x8x128xf32, #tpu.memory_space<vmem>> -> memref<1x1x4x8x128xf32, #tpu.memory_space<vmem>>
      %dma_start3A_296 = tpu.memref_squeeze %dma_start3A_295 : memref<1x1x4x8x128xf32, #tpu.memory_space<vmem>> -> memref<4x8x128xf32, #tpu.memory_space<vmem>>
      %dma_start3A_297 = arith.constant 0 : i32
      %dma_start3A_298 = arith.constant 0 : i32
      %dma_start3A_299 = tpu.memref_slice %arg4[%add3A_226, %dma_start3A_291, %mul3A_4, %dma_start3A_297, %dma_start3A_298] : memref<200x2x128x8x128xf32, #tpu.memory_space<hbm>> -> memref<1x1x4x8x128xf32, #tpu.memory_space<hbm>>
      %dma_start3A_300 = tpu.memref_squeeze %dma_start3A_299 : memref<1x1x4x8x128xf32, #tpu.memory_space<hbm>> -> memref<4x8x128xf32, #tpu.memory_space<hbm>>
      %dma_start3A_301 = arith.constant 0 : i32
      %dma_start3A_302 = arith.constant 0 : i32
      %dma_start3A_303 = tpu.memref_slice %arg4[%add3A_226, %dma_start3A_291, %mul3A_4, %dma_start3A_301, %dma_start3A_302] : memref<200x2x128x8x128xf32, #tpu.memory_space<hbm>> -> memref<1x1x4x8x128xf32, #tpu.memory_space<hbm>>
      %dma_start3A_304 = tpu.memref_squeeze %dma_start3A_303 : memref<1x1x4x8x128xf32, #tpu.memory_space<hbm>> -> memref<4x8x128xf32, #tpu.memory_space<hbm>>
      %dma_start3A_305 = arith.constant 0 : i32
      %dma_start3A_306 = arith.constant 0 : i32
      %dma_start3A_307 = arith.constant 0 : i32
      %dma_start3A_308 = tpu.memref_slice %arg8[%dma_start3A_289, %dma_start3A_290, %dma_start3A_305, %dma_start3A_306, %dma_start3A_307] : memref<2x2x4x8x128xf32, #tpu.memory_space<vmem>> -> memref<1x1x4x8x128xf32, #tpu.memory_space<vmem>>
      %dma_start3A_309 = tpu.memref_squeeze %dma_start3A_308 : memref<1x1x4x8x128xf32, #tpu.memory_space<vmem>> -> memref<4x8x128xf32, #tpu.memory_space<vmem>>
      tpu.enqueue_dma source(%dma_start3A_309 : memref<4x8x128xf32, #tpu.memory_space<vmem>>) target(%dma_start3A_304 : memref<4x8x128xf32, #tpu.memory_space<hbm>>) target_semaphore(%arg14 : memref<!tpu.dma_semaphore, #tpu.memory_space<semaphore_mem>>)
    }
    %scan3A_52 = arith.constant 100 : i32
    %dma_wait3A_53 = arith.constant 0 : i32
    %dma_wait3A_54 = arith.constant 0 : i32
    %dma_wait3A_55 = arith.constant 198 : i32
    %dma_wait3A_56 = arith.constant 0 : i32
    %dma_wait3A_57 = arith.constant 0 : i32
    %dma_wait3A_58 = arith.constant 0 : i32
    %dma_wait3A_59 = arith.constant 0 : i32
    %dma_wait3A_60 = tpu.memref_slice %arg8[%dma_wait3A_53, %dma_wait3A_54, %dma_wait3A_57, %dma_wait3A_58, %dma_wait3A_59] : memref<2x2x4x8x128xf32, #tpu.memory_space<vmem>> -> memref<1x1x4x8x128xf32, #tpu.memory_space<vmem>>
    %dma_wait3A_61 = tpu.memref_squeeze %dma_wait3A_60 : memref<1x1x4x8x128xf32, #tpu.memory_space<vmem>> -> memref<4x8x128xf32, #tpu.memory_space<vmem>>
    %dma_wait3A_62 = arith.constant 0 : i32
    %dma_wait3A_63 = arith.constant 0 : i32
    %dma_wait3A_64 = tpu.memref_slice %arg4[%dma_wait3A_55, %dma_wait3A_56, %mul3A_4, %dma_wait3A_62, %dma_wait3A_63] : memref<200x2x128x8x128xf32, #tpu.memory_space<hbm>> -> memref<1x1x4x8x128xf32, #tpu.memory_space<hbm>>
    %dma_wait3A_65 = tpu.memref_squeeze %dma_wait3A_64 : memref<1x1x4x8x128xf32, #tpu.memory_space<hbm>> -> memref<4x8x128xf32, #tpu.memory_space<hbm>>
    %dma_wait3A_66 = arith.constant 0 : i32
    %dma_wait3A_67 = arith.constant 0 : i32
    %dma_wait3A_68 = tpu.memref_slice %arg4[%dma_wait3A_55, %dma_wait3A_56, %mul3A_4, %dma_wait3A_66, %dma_wait3A_67] : memref<200x2x128x8x128xf32, #tpu.memory_space<hbm>> -> memref<1x1x4x8x128xf32, #tpu.memory_space<hbm>>
    %dma_wait3A_69 = tpu.memref_squeeze %dma_wait3A_68 : memref<1x1x4x8x128xf32, #tpu.memory_space<hbm>> -> memref<4x8x128xf32, #tpu.memory_space<hbm>>
    %dma_wait3A_70 = arith.constant 0 : i32
    %dma_wait3A_71 = arith.constant 0 : i32
    %dma_wait3A_72 = arith.constant 0 : i32
    %dma_wait3A_73 = tpu.memref_slice %arg8[%dma_wait3A_53, %dma_wait3A_54, %dma_wait3A_70, %dma_wait3A_71, %dma_wait3A_72] : memref<2x2x4x8x128xf32, #tpu.memory_space<vmem>> -> memref<1x1x4x8x128xf32, #tpu.memory_space<vmem>>
    %dma_wait3A_74 = tpu.memref_squeeze %dma_wait3A_73 : memref<1x1x4x8x128xf32, #tpu.memory_space<vmem>> -> memref<4x8x128xf32, #tpu.memory_space<vmem>>
    tpu.wait_dma2 semaphore(%arg13 : memref<!tpu.dma_semaphore, #tpu.memory_space<semaphore_mem>>) src(%dma_wait3A_74 : memref<4x8x128xf32, #tpu.memory_space<vmem>>) dst(%dma_wait3A_69 : memref<4x8x128xf32, #tpu.memory_space<hbm>>)
    %dma_wait3A_75 = arith.constant 0 : i32
    %dma_wait3A_76 = arith.constant 1 : i32
    %dma_wait3A_77 = arith.constant 198 : i32
    %dma_wait3A_78 = arith.constant 1 : i32
    %dma_wait3A_79 = arith.constant 0 : i32
    %dma_wait3A_80 = arith.constant 0 : i32
    %dma_wait3A_81 = arith.constant 0 : i32
    %dma_wait3A_82 = tpu.memref_slice %arg8[%dma_wait3A_75, %dma_wait3A_76, %dma_wait3A_79, %dma_wait3A_80, %dma_wait3A_81] : memref<2x2x4x8x128xf32, #tpu.memory_space<vmem>> -> memref<1x1x4x8x128xf32, #tpu.memory_space<vmem>>
    %dma_wait3A_83 = tpu.memref_squeeze %dma_wait3A_82 : memref<1x1x4x8x128xf32, #tpu.memory_space<vmem>> -> memref<4x8x128xf32, #tpu.memory_space<vmem>>
    %dma_wait3A_84 = arith.constant 0 : i32
    %dma_wait3A_85 = arith.constant 0 : i32
    %dma_wait3A_86 = tpu.memref_slice %arg4[%dma_wait3A_77, %dma_wait3A_78, %mul3A_4, %dma_wait3A_84, %dma_wait3A_85] : memref<200x2x128x8x128xf32, #tpu.memory_space<hbm>> -> memref<1x1x4x8x128xf32, #tpu.memory_space<hbm>>
    %dma_wait3A_87 = tpu.memref_squeeze %dma_wait3A_86 : memref<1x1x4x8x128xf32, #tpu.memory_space<hbm>> -> memref<4x8x128xf32, #tpu.memory_space<hbm>>
    %dma_wait3A_88 = arith.constant 0 : i32
    %dma_wait3A_89 = arith.constant 0 : i32
    %dma_wait3A_90 = tpu.memref_slice %arg4[%dma_wait3A_77, %dma_wait3A_78, %mul3A_4, %dma_wait3A_88, %dma_wait3A_89] : memref<200x2x128x8x128xf32, #tpu.memory_space<hbm>> -> memref<1x1x4x8x128xf32, #tpu.memory_space<hbm>>
    %dma_wait3A_91 = tpu.memref_squeeze %dma_wait3A_90 : memref<1x1x4x8x128xf32, #tpu.memory_space<hbm>> -> memref<4x8x128xf32, #tpu.memory_space<hbm>>
    %dma_wait3A_92 = arith.constant 0 : i32
    %dma_wait3A_93 = arith.constant 0 : i32
    %dma_wait3A_94 = arith.constant 0 : i32
    %dma_wait3A_95 = tpu.memref_slice %arg8[%dma_wait3A_75, %dma_wait3A_76, %dma_wait3A_92, %dma_wait3A_93, %dma_wait3A_94] : memref<2x2x4x8x128xf32, #tpu.memory_space<vmem>> -> memref<1x1x4x8x128xf32, #tpu.memory_space<vmem>>
    %dma_wait3A_96 = tpu.memref_squeeze %dma_wait3A_95 : memref<1x1x4x8x128xf32, #tpu.memory_space<vmem>> -> memref<4x8x128xf32, #tpu.memory_space<vmem>>
    tpu.wait_dma2 semaphore(%arg13 : memref<!tpu.dma_semaphore, #tpu.memory_space<semaphore_mem>>) src(%dma_wait3A_96 : memref<4x8x128xf32, #tpu.memory_space<vmem>>) dst(%dma_wait3A_91 : memref<4x8x128xf32, #tpu.memory_space<hbm>>)
    %dma_wait3A_97 = arith.constant 1 : i32
    %dma_wait3A_98 = arith.constant 0 : i32
    %dma_wait3A_99 = arith.constant 199 : i32
    %dma_wait3A_100 = arith.constant 0 : i32
    %dma_wait3A_101 = arith.constant 0 : i32
    %dma_wait3A_102 = arith.constant 0 : i32
    %dma_wait3A_103 = arith.constant 0 : i32
    %dma_wait3A_104 = tpu.memref_slice %arg8[%dma_wait3A_97, %dma_wait3A_98, %dma_wait3A_101, %dma_wait3A_102, %dma_wait3A_103] : memref<2x2x4x8x128xf32, #tpu.memory_space<vmem>> -> memref<1x1x4x8x128xf32, #tpu.memory_space<vmem>>
    %dma_wait3A_105 = tpu.memref_squeeze %dma_wait3A_104 : memref<1x1x4x8x128xf32, #tpu.memory_space<vmem>> -> memref<4x8x128xf32, #tpu.memory_space<vmem>>
    %dma_wait3A_106 = arith.constant 0 : i32
    %dma_wait3A_107 = arith.constant 0 : i32
    %dma_wait3A_108 = tpu.memref_slice %arg4[%dma_wait3A_99, %dma_wait3A_100, %mul3A_4, %dma_wait3A_106, %dma_wait3A_107] : memref<200x2x128x8x128xf32, #tpu.memory_space<hbm>> -> memref<1x1x4x8x128xf32, #tpu.memory_space<hbm>>
    %dma_wait3A_109 = tpu.memref_squeeze %dma_wait3A_108 : memref<1x1x4x8x128xf32, #tpu.memory_space<hbm>> -> memref<4x8x128xf32, #tpu.memory_space<hbm>>
    %dma_wait3A_110 = arith.constant 0 : i32
    %dma_wait3A_111 = arith.constant 0 : i32
    %dma_wait3A_112 = tpu.memref_slice %arg4[%dma_wait3A_99, %dma_wait3A_100, %mul3A_4, %dma_wait3A_110, %dma_wait3A_111] : memref<200x2x128x8x128xf32, #tpu.memory_space<hbm>> -> memref<1x1x4x8x128xf32, #tpu.memory_space<hbm>>
    %dma_wait3A_113 = tpu.memref_squeeze %dma_wait3A_112 : memref<1x1x4x8x128xf32, #tpu.memory_space<hbm>> -> memref<4x8x128xf32, #tpu.memory_space<hbm>>
    %dma_wait3A_114 = arith.constant 0 : i32
    %dma_wait3A_115 = arith.constant 0 : i32
    %dma_wait3A_116 = arith.constant 0 : i32
    %dma_wait3A_117 = tpu.memref_slice %arg8[%dma_wait3A_97, %dma_wait3A_98, %dma_wait3A_114, %dma_wait3A_115, %dma_wait3A_116] : memref<2x2x4x8x128xf32, #tpu.memory_space<vmem>> -> memref<1x1x4x8x128xf32, #tpu.memory_space<vmem>>
    %dma_wait3A_118 = tpu.memref_squeeze %dma_wait3A_117 : memref<1x1x4x8x128xf32, #tpu.memory_space<vmem>> -> memref<4x8x128xf32, #tpu.memory_space<vmem>>
    tpu.wait_dma2 semaphore(%arg14 : memref<!tpu.dma_semaphore, #tpu.memory_space<semaphore_mem>>) src(%dma_wait3A_118 : memref<4x8x128xf32, #tpu.memory_space<vmem>>) dst(%dma_wait3A_113 : memref<4x8x128xf32, #tpu.memory_space<hbm>>)
    %dma_wait3A_119 = arith.constant 1 : i32
    %dma_wait3A_120 = arith.constant 1 : i32
    %dma_wait3A_121 = arith.constant 199 : i32
    %dma_wait3A_122 = arith.constant 1 : i32
    %dma_wait3A_123 = arith.constant 0 : i32
    %dma_wait3A_124 = arith.constant 0 : i32
    %dma_wait3A_125 = arith.constant 0 : i32
    %dma_wait3A_126 = tpu.memref_slice %arg8[%dma_wait3A_119, %dma_wait3A_120, %dma_wait3A_123, %dma_wait3A_124, %dma_wait3A_125] : memref<2x2x4x8x128xf32, #tpu.memory_space<vmem>> -> memref<1x1x4x8x128xf32, #tpu.memory_space<vmem>>
    %dma_wait3A_127 = tpu.memref_squeeze %dma_wait3A_126 : memref<1x1x4x8x128xf32, #tpu.memory_space<vmem>> -> memref<4x8x128xf32, #tpu.memory_space<vmem>>
    %dma_wait3A_128 = arith.constant 0 : i32
    %dma_wait3A_129 = arith.constant 0 : i32
    %dma_wait3A_130 = tpu.memref_slice %arg4[%dma_wait3A_121, %dma_wait3A_122, %mul3A_4, %dma_wait3A_128, %dma_wait3A_129] : memref<200x2x128x8x128xf32, #tpu.memory_space<hbm>> -> memref<1x1x4x8x128xf32, #tpu.memory_space<hbm>>
    %dma_wait3A_131 = tpu.memref_squeeze %dma_wait3A_130 : memref<1x1x4x8x128xf32, #tpu.memory_space<hbm>> -> memref<4x8x128xf32, #tpu.memory_space<hbm>>
    %dma_wait3A_132 = arith.constant 0 : i32
    %dma_wait3A_133 = arith.constant 0 : i32
    %dma_wait3A_134 = tpu.memref_slice %arg4[%dma_wait3A_121, %dma_wait3A_122, %mul3A_4, %dma_wait3A_132, %dma_wait3A_133] : memref<200x2x128x8x128xf32, #tpu.memory_space<hbm>> -> memref<1x1x4x8x128xf32, #tpu.memory_space<hbm>>
    %dma_wait3A_135 = tpu.memref_squeeze %dma_wait3A_134 : memref<1x1x4x8x128xf32, #tpu.memory_space<hbm>> -> memref<4x8x128xf32, #tpu.memory_space<hbm>>
    %dma_wait3A_136 = arith.constant 0 : i32
    %dma_wait3A_137 = arith.constant 0 : i32
    %dma_wait3A_138 = arith.constant 0 : i32
    %dma_wait3A_139 = tpu.memref_slice %arg8[%dma_wait3A_119, %dma_wait3A_120, %dma_wait3A_136, %dma_wait3A_137, %dma_wait3A_138] : memref<2x2x4x8x128xf32, #tpu.memory_space<vmem>> -> memref<1x1x4x8x128xf32, #tpu.memory_space<vmem>>
    %dma_wait3A_140 = tpu.memref_squeeze %dma_wait3A_139 : memref<1x1x4x8x128xf32, #tpu.memory_space<vmem>> -> memref<4x8x128xf32, #tpu.memory_space<vmem>>
    tpu.wait_dma2 semaphore(%arg14 : memref<!tpu.dma_semaphore, #tpu.memory_space<semaphore_mem>>) src(%dma_wait3A_140 : memref<4x8x128xf32, #tpu.memory_space<vmem>>) dst(%dma_wait3A_135 : memref<4x8x128xf32, #tpu.memory_space<hbm>>)
    return
  }
}

</mosaic_0001>

<sc_bundles>
// kernel: kernel.4.cloned.1.call-start
scs
__scs_entry_jumppad:
0x0: {  	(pc) =	sbr.rel $0x88, $3  }
0x1: {  	(tag) =	ssettag $0x0;
	lr =	simm.s32 $0x1  }
0x2: {  	[smem:$0x3F9F] =	sst lr;
	_ =	strace $0xD0000000  }
0x3: {  	_ = 	snop  }
0x4: {  	_ = 	snop  }
0x5: {  	_ = 	snop  }
0x6: {  	_ = 	snop  }
0x7: {  	_ = 	snop  }
__scs_overlays_trampoline_lowered:
0x8: {  	[smem:$0x3FAE] =	sst s0  }
0x9: {  	[smem:$0x3FAF] =	sst s1  }
0xa: {  	[smem:$0x3FB0] =	sst s2  }
0xb: {  	[smem:$0x3FB1] =	sst s3  }
0xc: {  	[smem:$0x3FB2] =	sst s4  }
0xd: {  	[smem:$0x3FB3] =	sst s5  }
0xe: {  	[smem:$0x3FB4] =	sst s6  }
0xf: {  	[smem:$0x3FB5] =	sst s7  }
0x10: {  	[smem:$0x3FB6] =	sst s8  }
0x11: {  	[smem:$0x3FB7] =	sst s9;
	s0 =	simm.s32 @!p0 $0x0  }
0x12: {  	s1 =	sld [smem:$0x3F9D];
	s0 =	simm.s32 @p0 $0x1  }
0x13: {  	[smem:$0x3FB8] =	sst s0;
	s0 =	simm.s32 @!p1 $0x0  }
0x14: {  	s2 =	sld [smem:$0x3F9C];
	s0 =	simm.s32 @p1 $0x1  }
0x15: {  	[smem:$0x3FB9] =	sst s0;
	s0 =	simm.s32 @!p2 $0x0  }
0x16: {  	s3 =	sld [smem:$0x3FDB];
	s0 =	simm.s32 @p2 $0x1  }
0x17: {  	s4 =	simm.s32 $0x1BF5;
	[smem:$0x3FBB] =	sst s0  }
0x18: {  	s0 =	sld [smem:$0x3F9E];
	_ =	swait.ge [sflag:s4], $0x0  }
0x19: {  	s7 =	sld [smem:$0x3F9F]  }
0x1a: {  	s8 =	sadd.s32 $0xFFFFE003, lr  }
0x1b: {  	s9 =	sadd.s32 $0xFFFFFEF7, lr;
	s5 =	simm.s32 $0xFFFFFFFF;
	p2 =	slt.u32 s8, $0xFFFFF086  }
0x1c: {  	p1 =	slt.u32 s9, $0xF7A;
	s5 =	simm.s32 @!p2 $0x0  }
0x1d: {  	s5 =	simm.s32 @p1 $0x1;
	p0 =	seq.s32 s7, s2  }
0x1e: {  	s7 =	smul.u32 @!p0 $0xF7A, s2;
	p2 =	seq.s32 @!p0 s5, $0x0  }
0x1f: {  	s9 =	smul.u32 $0xF7A, s1;
	s8 =	simm.s32 @!p0 $0x1BF5;
	p2 =	por !p2, p0  }
0x20: {  	[sflag:s8] =	ssyncset.s32 @!p0 $0xFFFFF086;
	s6 =	sadd.s32 @!p0 s3, s7;
	s7 =	simm.s32 @!p0 $0x108  }
0x21: {  	s3 =	sadd.s32 s3, s9;
	s6 =	sadd.s32 @!p0 $0x88, s6;
	s7 =	simm.s32 @p2 $0x1082  }
0x22: {  	[simem:s7], [sflag:s8] =	dma.local @!p0 [hbm:s6], $0xF7A  }
0x23: {  	s9 =	sor.u32 $0xD0000000, s2;
	s6 =	simm.s32 $0x108;
	_ =	swait.ge @!p0 [sflag:s8], $0x0  }
0x24: {  	s3 =	sadd.s32 $0x88, s3;
	s6 =	simm.s32 @!p1 $0x1082;
	[sflag:s4] =	ssyncset.s32 $0xFFFFF086  }
0x25: {  	[simem:s6], [sflag:s4] =	dma.local [hbm:s3], $0xF7A  }
0x26: {  	[smem:$0x3F9F] =	sst s1;
	(tag) =	ssettag s2;
	_ =	strace s9  }
0x27: {  	s1 =	sld [smem:$0x3FAF]  }
0x28: {  	s2 =	sld [smem:$0x3FB0]  }
0x29: {  	s4 =	sld [smem:$0x3FB2]  }
0x2a: {  	p0 =	seq.s32 s5, $0x0;
	s5 =	sld [smem:$0x3FB3]  }
0x2b: {  	s6 =	sld [smem:$0x3FB4]  }
0x2c: {  	s7 =	sld [smem:$0x3FB5]  }
0x2d: {  	s3 =	simm.s32 $0x108;
	s8 =	sld [smem:$0x3FB6]  }
0x2e: {  	s3 =	simm.s32 @!p0 $0x1082;
	s9 =	sld [smem:$0x3FB7]  }
0x2f: {  	lr =	sadd.s32 s0, s3;
	s0 =	sld [smem:$0x3FAE]  }
0x30: {  	s3 =	sld [smem:$0x3FB1]  }
0x31: {  	[smem:$0x3FBA] =	sst s10  }
0x32: {  	s10 =	sld [smem:$0x3FB8];
	_ =	sdelay $0x3  }
0x33: {  	p0 =	seq.s32 s10, $0x1;
	s10 =	sld [smem:$0x3FBA];
	_ =	sdelay $0x3  }
0x34: {  	[smem:$0x3FBA] =	sst s10  }
0x35: {  	s10 =	sld [smem:$0x3FB9];
	_ =	sdelay $0x3  }
0x36: {  	p1 =	seq.s32 s10, $0x1;
	s10 =	sld [smem:$0x3FBA];
	_ =	sdelay $0x3  }
0x37: {  	[smem:$0x3FBA] =	sst s10  }
0x38: {  	s10 =	sld [smem:$0x3FBB]  }
0x39: {  	_ = 	snop;
	(pc) =	sbr.ind lr, $3  }
0x3a: {  	_ = 	snop  }
0x3b: {  	_ = 	snop  }
0x3c: {  	p2 =	seq.s32 s10, $0x1;
	s10 =	sld [smem:$0x3FBA]  }
0x3d: {  	_ =	shalt  }
0x3e: {  	_ =	shalt  }
0x3f: {  	_ =	shalt  }
0x40: {  	_ =	shalt  }
0x41: {  	_ =	shalt  }
0x42: {  	_ =	shalt  }
0x43: {  	_ =	shalt  }
0x44: {  	_ =	shalt  }
0x45: {  	_ =	shalt  }
0x46: {  	_ =	shalt  }
0x47: {  	_ =	shalt  }
0x48: {  	_ =	shalt  }
0x49: {  	_ =	shalt  }
0x4a: {  	_ =	shalt  }
0x4b: {  	_ =	shalt  }
0x4c: {  	_ =	shalt  }
0x4d: {  	_ =	shalt  }
0x4e: {  	_ =	shalt  }
0x4f: {  	_ =	shalt  }
0x50: {  	_ =	shalt  }
0x51: {  	_ =	shalt  }
0x52: {  	_ =	shalt  }
0x53: {  	_ =	shalt  }
0x54: {  	_ =	shalt  }
0x55: {  	_ =	shalt  }
0x56: {  	_ =	shalt  }
0x57: {  	_ =	shalt  }
0x58: {  	_ =	shalt  }
0x59: {  	_ =	shalt  }
0x5a: {  	_ =	shalt  }
0x5b: {  	_ =	shalt  }
0x5c: {  	_ =	shalt  }
0x5d: {  	_ =	shalt  }
0x5e: {  	_ =	shalt  }
0x5f: {  	_ =	shalt  }
0x60: {  	_ =	shalt  }
0x61: {  	_ =	shalt  }
0x62: {  	_ =	shalt  }
0x63: {  	_ =	shalt  }
0x64: {  	_ =	shalt  }
0x65: {  	_ =	shalt  }
0x66: {  	_ =	shalt  }
0x67: {  	_ =	shalt  }
0x68: {  	_ =	shalt  }
0x69: {  	_ =	shalt  }
0x6a: {  	_ =	shalt  }
0x6b: {  	_ =	shalt  }
0x6c: {  	_ =	shalt  }
0x6d: {  	_ =	shalt  }
0x6e: {  	_ =	shalt  }
0x6f: {  	_ =	shalt  }
0x70: {  	_ =	shalt  }
0x71: {  	_ =	shalt  }
0x72: {  	_ =	shalt  }
0x73: {  	_ =	shalt  }
0x74: {  	_ =	shalt  }
0x75: {  	_ =	shalt  }
0x76: {  	_ =	shalt  }
0x77: {  	_ =	shalt  }
0x78: {  	_ =	shalt  }
0x79: {  	_ =	shalt  }
0x7a: {  	_ =	shalt  }
0x7b: {  	_ =	shalt  }
0x7c: {  	_ =	shalt  }
0x7d: {  	_ =	shalt  }
0x7e: {  	_ =	shalt  }
0x7f: {  	_ =	shalt  }
0x80: {  	_ =	shalt  }
0x81: {  	_ =	shalt  }
0x82: {  	_ =	shalt  }
0x83: {  	_ =	shalt  }
0x84: {  	_ =	shalt  }
0x85: {  	_ =	shalt  }
0x86: {  	_ =	shalt  }
0x87: {  	_ =	shalt  }
.Lfunc_end0:
.L_simem_size_0:
called_computation_lowered:
.L_overlay_start_0:
0x88: {  	s2 =	sld [smem:$0x3FD9]  }
0x89: {  	s3 =	sld [smem:$0x3FFE];
	_ =	sdelay $0x1  }
0x8a: {  	s1 =	srdreg.scid  }
0x8b: {  	s0 =	sand.u32 $0x1, s1  }
0x8c: {  	s17 =	sshll.u32 s0, $0xA;
	s2 =	sadd.s32 s3, s2  }
0x8d: {  	s2 =	sadd.s32 s2, s17  }
0x8e: {  	[smem:$0x3FC6] =	sst s2  }
0x8f: {  	_ = 	snop  }
0x90: {  	s2 =	sld [smem:$0x3FC8];
	(tm) =	ssettm $0x1  }
0x91: {  	s18 =	sld [smem:$0x3FFB];
	_ =	sdelay $0x3  }
0x92: {  	_ =	strace s18  }
0x93: {  	s3 =	sld [smem:$0x3FFC];
	_ =	sdelay $0x3  }
0x94: {  	_ =	strace s3  }
0x95: {  	s3 =	sld [smem:$0x3FFD];
	_ =	sdelay $0x3  }
0x96: {  	_ =	strace s3  }
0x97: {  	_ =	strace $0x8FFFFFFF  }
0x98: {  	s19 =	sld [smem:$0x3FDB];
	_ =	sdelay $0x1  }
0x99: {  	s4 =	simm.s32 $_scs_section_size  }
0x9a: {  	s5 =	simm.s32 $_size__tile_overlayer_lowered;
	s6 =	simm.s32 $_tile_overlayer_lowered  }
0x9b: {  	s22 =	simm.s32 $0x1BFF;
	s21 =	sshll.u32 s6, $0x1;
	s3 =	sadd.s32 s4, s19  }
0x9c: {  	s7 =	simm.s32 $0x0;
	s20 =	sshll.u32 s5, $0x1;
	s5 =	sadd.s32 s21, s3  }
0x9d: {  	[timem:s7], [sflag:s22] =	dma.local [hbm:s5], s20  }
0x9e: {  	_ =	swait.ge [sflag:s22], s20  }
0x9f: {  	s4 =	ssub.s32 $0x0, s20;
	[sflag:s22] =	ssyncset.done $0x0  }
0xa0: {  	[sflag:s22] =	ssyncadd.s32 s4;
	_ =	sdelay $0x1  }
0xa1: {  	s23 =	simm.s32 $0x1B8B  }
0xa2: {  	_ =	swait.ge [sflag:s23], $0x1  }
0xa3: {  	[sflag:s23] =	ssyncset.done $0x0  }
0xa4: {  	s25 =	simm.s32 $0x1B8E;
	s24 =	sld [smem:$0x3FFE];
	[sflag:s23] =	ssyncadd.s32 $0xFFFFFFFF  }
0xa5: {  	s26 =	simm.s32 $execute0_lowered;
	[smem:$0x3FD2] =	sst s25  }
0xa6: {  	s5 =	sshll.u32 s26, $0x1;
	_ =	strace $0x80000046;
	[dreg:$0x1] =	wrdreg $0xFFFFFFFF  }
0xa7: {  	s28 =	simm.s32 $_size_execute0_lowered;
	s3 =	sadd.s32 s3, s5;
	[dreg:$0x0] =	wrdreg $0x0  }
0xa8: {  	s5 =	sshll.u32 s28, $0x1;
	[dreg:$0x2] =	wrdreg s3  }
0xa9: {  	[dreg:$0x3] =	wrdreg s5  }
0xaa: {  	[dreg:$0x4] =	wrdreg $0xC0  }
0xab: {  	_ =	task [dreg:s7], $0x5FFFF  }
0xac: {  	[dreg:$0x1] =	wrdreg $0xFFFFFFFF  }
0xad: {  	[dreg:$0x0] =	wrdreg $0x60  }
0xae: {  	[dreg:$0x2] =	wrdreg s2  }
0xaf: {  	[dreg:$0x3] =	wrdreg s24  }
0xb0: {  	[dreg:$0x4] =	wrdreg $0x9  }
0xb1: {  	_ =	task.clear_ibuf [dreg:s7], $0x5FFFF;
	_ =	strace $0x90000046  }
0xb2: {  	s29 =	simm.s32 $0x9;
	_ =	strace $0x80000048  }
0xb3: {  	_ =	swait.ge [sflag:s29], $0x1  }
0xb4: {  	[sflag:s29] =	ssyncadd.s32 $0xFFFFFFFF  }
0xb5: {  	_ =	strace $0x90000048  }
0xb6: {  	_ =	sfence  }
0xb7: {  	s30 =	sld [smem:$0x0];
	_ =	sdelay $0x2  }
0xb8: {  	s31 =	sshll.u32 s1, $0xD;
	s1 =	sshrl.u32 s1, $0x2  }
0xb9: {  	s3 =	sand.u32 $0x4000, s31;
	s1 =	sadd.s32 s1, s30  }
0xba: {  	s0 =	sor.u32 s3, s0;
	s1 =	sshll.u32 s1, $0x11  }
0xbb: {  	s0 =	sor.u32 s1, s0  }
0xbc: {  	s0 =	sadd.s32 $0x8F2B, s0  }
0xbd: {  	[sflag:s0] =	ssyncadd.remote.s32 $0x1  }
0xbe: {  	_ =	sfence.sel $0xFFFF  }
0xbf: {  	[dreg:$0x0] =	wrdreg $0xFFFFFFFF;
	(pc) =	sbr.abs _section_cstart, $3  }
0xc0: {  	[dreg:$0x1] =	wrdreg $0xFFFFFFFF  }
0xc1: {  	_ =	task.clear_ibuf [dreg:s7], $0x2FFFF;
	_ =	strace $0x9FFFFFFF  }
0xc2: {  	(tm) =	ssettm $0x7FFFFFFF  }
0xc3: {  	_ =	shalt  }
tec
execute0_lowered:
.L_overlay_start_1:
0x0: {  	(tag) =	ssettag $0x1  }
0x1: {  	s1 =	rddreg [dreg:$0x0]  }
0x2: {  	s7 =	rddreg [dreg:$0x1]  }
0x3: {  	s0 =	rddreg [dreg:$0x2];
	s4 =	srdreg.scid;
	s3 =	simm.s32 $0x0  }
0x4: {  	s2 =	stileid.u32;
	s10 =	simm.s32 $0x2000;
	s11 =	simm.s32 $0x7A1400  }
0x5: {  	s12 =	simm.s32 $0x1;
	s13 =	simm.s32 $0x4000;
	s14 =	simm.s32 $0x8400  }
0x6: {  	s15 =	simm.s32 $0x2;
	s16 =	simm.s32 $0x0;
	s4 =	sand.u32 $0x1, s4  }
.Ltmp0:
0x7: {  	[smem:$0x7FF] =	sst s3;
	s5 =	sshll.u32 s2, $0x1;
	(pc) =	sbr.rel .LBB2_1-.Ltmp0, $4  }
0x8: {  	v0 =	vlaneseq.u32;
	s6 =	ssub.s32 $0x2, s4;
	_ =	strace $0x80000047;
	s4 =	sor.u32 s4, s5  }
0x9: {  	v1 =	vmul.u32 $0x11, v0;
	v2 =	vor.u32 $0x10, v0;
	s5 =	sadd.s32 $0xA00, s7;
	s7 =	sadd.s32 $0x1E8A00, s7;
	s8 =	sshrl.u32 s6, $0x1  }
0xa: {  	v3 =	vor.u32 $0x20, v0;
	v4 =	vor.u32 $0x30, v0;
	v5 =	vor.u32 $0x40, v0;
	s31 =	ssub.s32 $0x3EF, s4;
	p0 =	sne.s32 s4, $0x10;
	s9 =	ssub.s32 s6, s8  }
0xb: {  	v6 =	vor.u32 $0x50, v0;
	v7 =	vor.u32 $0x60, v0;
	v8 =	vor.u32 $0x70, v0;
	s6 =	sadd.s32 $0xF4000, s1;
	s8 =	sshrl.u32 s31, $0x5;
	s9 =	smax.u32 s9, $0x1  }
.LBB2_13:
0xc: {  	s16 =	sadd.s32 $0x1, s16  }
0xd: {  	p1 =	sne.s32 s16, s9  }
.Ltmp1:
0xe: {  	_ = 	snop;
	(pc) =	sbr.rel @!p1 .LBB2_14-.Ltmp1, $1  }
0xf: {  	_ =	sdelay $0x3  }
.LBB2_1:
0x10: {  	s17 =	simm.s32 $0x0  }
.LBB2_2:
0x11: {  	s18 =	sshll.u32 s17, $0x5  }
0x12: {  	s18 =	sor.u32 s4, s18  }
0x13: {  	s19 =	sshll.u32 s18, $0xA  }
0x14: {  	s20 =	sand.u32 $0x1FFFFC00, s19;
	s19 =	simm.s32 $0x0  }
0x15: {  	s20 =	sadd.s32 s1, s20;
	v9 =	vmov s19  }
0x16: {  	v10 =	vor.u32 s19, v0;
	[tilespmem:s3], [sflag:$0x1] =	stream.strided.gather [hbm4b:s20+s10], $0x4000, s11, s10, $0x38;
	v9 =	vshll.u32 v9, $0x3;
	[tilespmem:$0xC400] =	vst v63  }
0x17: {  	v10 =	vand.u32 $0x7F, v10;
	_ =	swait.ge [sflag:s12], $0x4000;
	v11 =	vand.u32 $0x1C00, v9  }
0x18: {  	p1 =	seq.s32 s17, $0x0;
	[sflag:s12] =	ssyncset.done $0x0;
	v11 =	vor.u32 v10, v11  }
0x19: {  	s20 =	simm.s32 @!p1 $0x2;
	[sflag:s12] =	ssyncadd.s32 $0xFFFFC000;
	v12 =	vor.u32 $0x80, v11  }
0x1a: {  	v13 =	vor.u32 $0x100, v11;
	_ =	swait.ge @!p1 [sflag:s20], $0x4000  }
0x1b: {  	v14 =	vor.u32 $0x180, v11;
	[sflag:s20] =	ssyncset.done @!p1 $0x0  }
0x1c: {  	v15 =	vor.u32 $0x200, v11;
	[sflag:s20] =	ssyncadd.s32 @!p1 $0xFFFFC000  }
0x1d: {  	v10 =	vor.u32 v9, v10;
	v17 =	vor.u32 $0x280, v11;
	v16 =	vld.idx.msk [tilespmem:v11+s3+$0x0], $0xffff  }
0x1e: {  	v18 =	vor.u32 $0x380, v10;
	v9 =	vld.idx.msk [tilespmem:v12+s3+$0x0], $0xffff  }
0x1f: {  	s22 =	simm.s32 $0x2;
	v12 =	vor.u32 $0x300, v11;
	v13 =	vld.idx.msk [tilespmem:v13+s3+$0x0], $0xffff  }
0x20: {  	s23 =	simm.s32 $0x3;
	v19 =	vadd.s32 s22, v1;
	v20 =	vor.u32 $0x2000, v11;
	v14 =	vld.idx.msk [tilespmem:v14+s3+$0x0], $0xffff  }
0x21: {  	s24 =	simm.s32 $0x4;
	v21 =	vadd.s32 s23, v1;
	v22 =	vor.u32 $0x2080, v11;
	v15 =	vld.idx.msk [tilespmem:v15+s3+$0x0], $0xffff  }
0x22: {  	s25 =	simm.s32 $0x5;
	s21 =	simm.s32 $0x6;
	v23 =	vadd.s32 s24, v1;
	v25 =	vor.u32 $0x2200, v11;
	v17 =	vld.idx.msk [tilespmem:v17+s3+$0x0], $0xffff  }
0x23: {  	v26 =	vadd.s32 s25, v1;
	v28 =	vadd.s32 s21, v1;
	v24 =	vor.u32 $0x2100, v11;
	v18 =	vld.idx.msk [tilespmem:v18+s3+$0x0], $0xffff  }
0x24: {  	s26 =	simm.s32 $0x7;
	v27 =	vor.u32 $0x2180, v11;
	v29 =	vor.u32 $0x2280, v11;
	v10 =	vor.u32 $0x2380, v10;
	s20 =	simm.s32 $0x10;
	v12 =	vld.idx.msk [tilespmem:v12+s3+$0x0], $0xffff  }
0x25: {  	s28 =	simm.s32 $0x8;
	v30 =	vmov s20;
	v31 =	vor.u32 s20, v0;
	[tilespmem:v19+s13+$0x0] =	vst.idx.msk $0xffff, v13;
	v13 =	vadd.s32 s26, v1;
	v19 =	vld.idx.msk [tilespmem:v20+s3+$0x0], $0xffff  }
0x26: {  	s29 =	simm.s32 $0x9;
	v20 =	vshll.u32 v30, $0x3;
	[tilespmem:v21+s13+$0x0] =	vst.idx.msk $0xffff, v14;
	v14 =	vadd.s32 s28, v1;
	v21 =	vld.idx.msk [tilespmem:v22+s3+$0x0], $0xffff;
	v22 =	vor.u32 $0x2300, v11  }
0x27: {  	s22 =	simm.s32 $0x0;
	v25 =	vld.idx.msk [tilespmem:v25+s3+$0x0], $0xffff;
	v30 =	vand.u32 $0x7F, v31;
	[tilespmem:v23+s13+$0x0] =	vst.idx.msk $0xffff, v15;
	v15 =	vadd.s32 s29, v1;
	v11 =	vand.u32 $0x1C00, v20  }
0x28: {  	s30 =	simm.s32 $0xB;
	v31 =	vld.idx.msk [tilespmem:v24+s3+$0x0], $0xffff;
	v23 =	vadd.s32 s22, v1;
	[tilespmem:v26+s13+$0x0] =	vst.idx.msk $0xffff, v17;
	v11 =	vor.u32 v30, v11  }
0x29: {  	s31 =	simm.s32 $0xC;
	v17 =	vld.idx.msk [tilespmem:v27+s3+$0x0], $0xffff;
	v24 =	vor.u32 $0x80, v11;
	[tilespmem:v28+s13+$0x0] =	vst.idx.msk $0xffff, v12;
	v12 =	vadd.s32 s30, v1  }
0x2a: {  	v33 =	vld.idx.msk [tilespmem:v10+s3+$0x0], $0xffff;
	s22 =	simm.s32 $0xD;
	v34 =	vor.u32 $0x280, v11;
	[tilespmem:v13+s13+$0x0] =	vst.idx.msk $0xffff, v18;
	v13 =	vadd.s32 s31, v1  }
0x2b: {  	s23 =	simm.s32 $0xE;
	v26 =	vor.u32 $0x100, v11;
	v18 =	vld.idx.msk [tilespmem:v29+s3+$0x0], $0xffff;
	[tilespmem:v14+s13+$0x0] =	vst.idx.msk $0xffff, v19;
	v29 =	vadd.s32 s22, v1  }
0x2c: {  	s24 =	simm.s32 $0xF;
	v28 =	vor.u32 $0x180, v11;
	v22 =	vld.idx.msk [tilespmem:v22+s3+$0x0], $0xffff;
	[tilespmem:v15+s13+$0x0] =	vst.idx.msk $0xffff, v21;
	v21 =	vadd.s32 s23, v1  }
0x2d: {  	s25 =	simm.s32 $0xA;
	v32 =	vor.u32 $0x200, v11;
	[tilespmem:v23+s13+$0x0] =	vst.idx.msk $0xffff, v16;
	v16 =	vadd.s32 s24, v1;
	v10 =	vld.idx.msk [tilespmem:v11+s3+$0x0], $0xffff  }
0x2e: {  	v36 =	vadd.s32 s25, v1;
	s28 =	simm.s32 $0x1;
	v35 =	vor.u32 $0x300, v11;
	v15 =	vor.u32 v20, v30;
	v14 =	vld.idx.msk [tilespmem:v24+s3+$0x0], $0xffff;
	[tilespmem:v12+s13+$0x0] =	vst.idx.msk $0xffff, v17  }
0x2f: {  	s29 =	simm.s32 $0x112;
	v30 =	vadd.s32 s28, v1;
	v27 =	vor.u32 $0x380, v15;
	v20 =	vld.idx.msk [tilespmem:v34+s3+$0x0], $0xffff;
	[tilespmem:v13+s13+$0x0] =	vst.idx.msk $0xffff, v25  }
0x30: {  	s30 =	simm.s32 $0x113;
	v23 =	vor.u32 $0x2000, v11;
	v17 =	vld.idx.msk [tilespmem:v26+s3+$0x0], $0xffff;
	[tilespmem:v29+s13+$0x0] =	vst.idx.msk $0xffff, v18;
	v25 =	vadd.s32 s29, v1  }
0x31: {  	s23 =	simm.s32 $0x114;
	s31 =	simm.s32 $0x115;
	v19 =	vld.idx.msk [tilespmem:v28+s3+$0x0], $0xffff;
	[tilespmem:v21+s13+$0x0] =	vst.idx.msk $0xffff, v22;
	v28 =	vadd.s32 s30, v1;
	v26 =	vor.u32 $0x2080, v11  }
0x32: {  	s21 =	simm.s32 $0x11F;
	s26 =	simm.s32 $0x110;
	v24 =	vadd.s32 s31, v1;
	v18 =	vld.idx.msk [tilespmem:v32+s3+$0x0], $0xffff;
	v22 =	vadd.s32 s23, v1;
	[tilespmem:v16+s13+$0x0] =	vst.idx.msk $0xffff, v33;
	v16 =	vor.u32 $0x2100, v11  }
0x33: {  	s22 =	simm.s32 $0x111;
	s24 =	simm.s32 $0x116;
	[tilespmem:v36+s13+$0x0] =	vst.idx.msk $0xffff, v31;
	v13 =	vor.u32 $0x2200, v11;
	v12 =	vadd.s32 s26, v1;
	v21 =	vld.idx.msk [tilespmem:v35+s3+$0x0], $0xffff;
	v29 =	vor.u32 $0x2180, v11;
	s23 =	simm.s32 $0x11F  }
.LBB2_3:
0x34: {  	s20 =	sadd.s32 $0x10, s20;
	v31 =	vadd.s32 s24, v1;
	v27 =	vld.idx.msk [tilespmem:v27+s3+$0x0], $0xffff;
	s24 =	sadd.s32 $0xFFFFFFF8, s21;
	v32 =	vor.u32 $0x2280, v11;
	v33 =	vor.u32 $0x2380, v15;
	[tilespmem:v30+s13+$0x0] =	vst.idx.msk $0xffff, v9;
	v9 =	vmovc v14  }
0x35: {  	v14 =	vmov s20;
	v15 =	vor.u32 s20, v0;
	p1 =	slt.u32 s20, $0x3F0;
	[tilespmem:v25+s13+$0x0] =	vst.idx.msk $0xffff, v17;
	v17 =	vadd.s32 s24, v1;
	v23 =	vld.idx.msk [tilespmem:v23+s3+$0x0], $0xffff;
	s24 =	sadd.s32 $0xFFFFFFF9, s21  }
0x36: {  	v14 =	vshll.u32 v14, $0x3;
	[tilespmem:v28+s13+$0x0] =	vst.idx.msk $0xffff, v19;
	v19 =	vadd.s32 s24, v1;
	v25 =	vld.idx.msk [tilespmem:v26+s3+$0x0], $0xffff;
	s24 =	sadd.s32 $0xFFFFFFFA, s21;
	v26 =	vor.u32 $0x2300, v11  }
0x37: {  	v15 =	vand.u32 $0x7F, v15;
	v11 =	vand.u32 $0x1C00, v14;
	[tilespmem:v22+s13+$0x0] =	vst.idx.msk $0xffff, v18;
	v18 =	vadd.s32 s24, v1;
	v34 =	vld.idx.msk [tilespmem:v16+s3+$0x0], $0xffff;
	s24 =	sadd.s32 $0xFFFFFFFB, s21  }
0x38: {  	s25 =	sadd.s32 $0xFFFFFFFC, s21;
	v11 =	vor.u32 v15, v11;
	v15 =	vor.u32 v14, v15;
	[tilespmem:v24+s13+$0x0] =	vst.idx.msk $0xffff, v20;
	v16 =	vld.idx.msk [tilespmem:v29+s3+$0x0], $0xffff  }
0x39: {  	v20 =	vadd.s32 s25, v1;
	s25 =	sadd.s32 $0xFFFFFFFD, s21;
	v14 =	vor.u32 $0x80, v11;
	[tilespmem:v31+s13+$0x0] =	vst.idx.msk $0xffff, v21;
	v21 =	vld.idx.msk [tilespmem:v13+s3+$0x0], $0xffff;
	v13 =	vor.u32 $0x2200, v11  }
0x3a: {  	v22 =	vor.u32 $0x100, v11;
	v24 =	vadd.s32 s25, v1;
	s25 =	sadd.s32 $0xFFFFFFFE, s21;
	[tilespmem:v17+s13+$0x0] =	vst.idx.msk $0xffff, v27;
	v28 =	vld.idx.msk [tilespmem:v32+s3+$0x0], $0xffff  }
0x3b: {  	v29 =	vor.u32 $0x180, v11;
	v31 =	vadd.s32 s25, v1;
	s25 =	sadd.s32 $0xFFFFFFFF, s21;
	[tilespmem:v19+s13+$0x0] =	vst.idx.msk $0xffff, v23;
	v32 =	vld.idx.msk [tilespmem:v26+s3+$0x0], $0xffff  }
0x3c: {  	s21 =	sadd.s32 $0x110, s21;
	v26 =	vor.u32 $0x200, v11;
	v35 =	vadd.s32 s25, v1;
	[tilespmem:v18+s13+$0x0] =	vst.idx.msk $0xffff, v25;
	v33 =	vld.idx.msk [tilespmem:v33+s3+$0x0], $0xffff  }
0x3d: {  	v37 =	vadd.s32 s23, v1;
	v36 =	vor.u32 $0x280, v11;
	s25 =	sadd.s32 $0xFFFFFFF1, s21;
	s26 =	sadd.s32 $0xFFFFFFF2, s21;
	s23 =	smov.u32 s21;
	[tilespmem:v12+s13+$0x0] =	vst.idx.msk $0xffff, v10;
	v10 =	vld.idx.msk [tilespmem:v11+s3+$0x0], $0xffff  }
0x3e: {  	v39 =	vadd.s32 s24, v1;
	v38 =	vor.u32 $0x300, v11;
	v12 =	vadd.s32 s25, v1;
	v14 =	vld.idx.msk [tilespmem:v14+s3+$0x0], $0xffff;
	[tilespmem:v20+s13+$0x0] =	vst.idx.msk $0xffff, v16  }
.Ltmp2:
0x3f: {  	v30 =	vadd.s32 s22, v1;
	v27 =	vor.u32 $0x380, v15;
	s24 =	sadd.s32 $0xFFFFFFF3, s21;
	s22 =	smov.u32 s26;
	v17 =	vld.idx.msk [tilespmem:v22+s3+$0x0], $0xffff;
	[tilespmem:v24+s13+$0x0] =	vst.idx.msk $0xffff, v21;
	(pc) =	sbr.rel @p1 .LBB2_3-.Ltmp2, $4  }
0x40: {  	v23 =	vor.u32 $0x2000, v11;
	v25 =	vadd.s32 s24, v1;
	s24 =	sadd.s32 $0xFFFFFFF4, s21;
	v19 =	vld.idx.msk [tilespmem:v29+s3+$0x0], $0xffff;
	[tilespmem:v31+s13+$0x0] =	vst.idx.msk $0xffff, v28  }
0x41: {  	v28 =	vadd.s32 s24, v1;
	s24 =	sadd.s32 $0xFFFFFFF5, s21;
	v18 =	vld.idx.msk [tilespmem:v26+s3+$0x0], $0xffff;
	v26 =	vor.u32 $0x2080, v11;
	[tilespmem:v35+s13+$0x0] =	vst.idx.msk $0xffff, v32  }
0x42: {  	v16 =	vor.u32 $0x2100, v11;
	v22 =	vadd.s32 s24, v1;
	s24 =	sadd.s32 $0xFFFFFFF6, s21;
	v20 =	vld.idx.msk [tilespmem:v36+s3+$0x0], $0xffff;
	[tilespmem:v37+s13+$0x0] =	vst.idx.msk $0xffff, v33  }
0x43: {  	v29 =	vor.u32 $0x2180, v11;
	v24 =	vadd.s32 s24, v1;
	s24 =	sadd.s32 $0xFFFFFFF7, s21;
	v21 =	vld.idx.msk [tilespmem:v38+s3+$0x0], $0xffff;
	[tilespmem:v39+s13+$0x0] =	vst.idx.msk $0xffff, v34  }
0x44: {  	_ =	sdelay $0x3  }
0x45: {  	[tilespmem:v30+s13+$0x0] =	vst.idx.msk $0xffff, v9  }
0x46: {  	v31 =	vadd.s32 s24, v1;
	s20 =	sadd.s32 $0xFFFFFFF8, s21;
	[tilespmem:v25+s13+$0x0] =	vst.idx.msk $0xffff, v17;
	s25 =	sadd.s32 $0xFFFFFFF9, s21  }
0x47: {  	v9 =	vld.idx.msk [tilespmem:v27+s3+$0x0], $0xffff;
	s26 =	sadd.s32 $0xFFFFFFFA, s21;
	s28 =	sadd.s32 $0xFFFFFFFC, s21;
	s29 =	sadd.s32 $0xFFFFFFFD, s21;
	[tilespmem:v12+s13+$0x0] =	vst.idx.msk $0xffff, v10;
	v17 =	vadd.s32 s20, v1  }
0x48: {  	v23 =	vld.idx.msk [tilespmem:v23+s3+$0x0], $0xffff;
	v15 =	vor.u32 $0x2380, v15;
	s30 =	sadd.s32 $0xFFFFFFFE, s21;
	s31 =	sadd.s32 $0xFFFFFFFF, s21;
	s21 =	sadd.s32 $0xFFFFFFFB, s21;
	[tilespmem:v28+s13+$0x0] =	vst.idx.msk $0xffff, v19;
	v19 =	vadd.s32 s25, v1  }
0x49: {  	v25 =	vor.u32 $0x2280, v11;
	v12 =	vld.idx.msk [tilespmem:v16+s3+$0x0], $0xffff;
	v16 =	vadd.s32 s21, v1;
	[tilespmem:v22+s13+$0x0] =	vst.idx.msk $0xffff, v18  }
0x4a: {  	v26 =	vld.idx.msk [tilespmem:v26+s3+$0x0], $0xffff;
	v11 =	vor.u32 $0x2300, v11;
	v18 =	vadd.s32 s26, v1;
	[tilespmem:v24+s13+$0x0] =	vst.idx.msk $0xffff, v20  }
0x4b: {  	v20 =	vld.idx.msk [tilespmem:v29+s3+$0x0], $0xffff;
	[tilespmem:v31+s13+$0x0] =	vst.idx.msk $0xffff, v21;
	v21 =	vadd.s32 s28, v1  }
0x4c: {  	v13 =	vld.idx.msk [tilespmem:v13+s3+$0x0], $0xffff;
	[tilespmem:v17+s13+$0x0] =	vst.idx.msk $0xffff, v9;
	v9 =	vadd.s32 s29, v1  }
0x4d: {  	v10 =	vadd.s32 s23, v1;
	v15 =	vld.idx.msk [tilespmem:v15+s3+$0x0], $0xffff;
	[tilespmem:v19+s13+$0x0] =	vst.idx.msk $0xffff, v23  }
0x4e: {  	v17 =	vld.idx.msk [tilespmem:v25+s3+$0x0], $0xffff;
	v19 =	vadd.s32 s30, v1;
	[tilespmem:v16+s13+$0x0] =	vst.idx.msk $0xffff, v12  }
0x4f: {  	v11 =	vld.idx.msk [tilespmem:v11+s3+$0x0], $0xffff;
	[tilespmem:v18+s13+$0x0] =	vst.idx.msk $0xffff, v26;
	v18 =	vadd.s32 s31, v1  }
0x50: {  	s23 =	simm.s32 $0xFF;
	[tilespmem:v21+s13+$0x0] =	vst.idx.msk $0xffff, v20;
	v20 =	vadd.s32 s22, v1  }
0x51: {  	s25 =	simm.s32 $0x11;
	[tilespmem:v9+s13+$0x0] =	vst.idx.msk $0xffff, v13;
	v9 =	vadd.s32 s23, v0  }
0x52: {  	s26 =	simm.s32 $0x22;
	[tilespmem:v10+s13+$0x0] =	vst.idx.msk $0xffff, v15;
	v10 =	vadd.s32 s25, v0  }
0x53: {  	s28 =	simm.s32 $0x33;
	v12 =	vadd.s32 s26, v0;
	[tilespmem:v19+s13+$0x0] =	vst.idx.msk $0xffff, v17  }
0x54: {  	s30 =	simm.s32 $0x0;
	v13 =	vadd.s32 s28, v0;
	[tilespmem:v18+s13+$0x0] =	vst.idx.msk $0xffff, v11  }
0x55: {  	s31 =	simm.s32 $0x55;
	v15 =	vor.u32 s30, v0;
	[tilespmem:v20+s13+$0x0] =	vst.idx.msk $0xffff, v14  }
0x56: {  	s24 =	simm.s32 $0xEE;
	v16 =	vadd.s32 s31, v0;
	v9 =	vld.idx.msk [tilespmem:v9+s13+$0x0], $0xffff  }
0x57: {  	s21 =	simm.s32 $0x0;
	s29 =	simm.s32 $0x44;
	v11 =	vadd.s32 s24, v0;
	v10 =	vld.idx.msk [tilespmem:v10+s13+$0x0], $0xffff  }
0x58: {  	s25 =	simm.s32 $0x88;
	v14 =	vadd.s32 s29, v0;
	v20 =	vor.u32 s21, v2;
	v12 =	vld.idx.msk [tilespmem:v12+s13+$0x0], $0xffff  }
0x59: {  	v22 =	vor.u32 s21, v3;
	s23 =	simm.s32 $0x66;
	v24 =	vadd.s32 s25, v0;
	v23 =	vld.idx.msk [tilespmem:v13+s13+$0x0], $0xffff  }
0x5a: {  	v29 =	vor.u32 s21, v4;
	v18 =	vadd.s32 s23, v0;
	s24 =	simm.s32 $0x77;
	v32 =	vld.idx.msk [tilespmem:v15+s13+$0x0], $0xffff  }
0x5b: {  	v34 =	vor.u32 s21, v0;
	s22 =	simm.s32 $0x80;
	s28 =	simm.s32 $0xAA;
	v21 =	vadd.s32 s24, v0;
	v27 =	vld.idx.msk [tilespmem:v16+s13+$0x0], $0xffff  }
0x5c: {  	s26 =	simm.s32 $0x99;
	v17 =	vor.u32 s22, v7;
	v33 =	vadd.s32 s28, v0;
	v11 =	vld.idx.msk [tilespmem:v11+s13+$0x0], $0xffff  }
0x5d: {  	v31 =	vor.u32 s21, v5;
	v25 =	vor.u32 s21, v6;
	v30 =	vadd.s32 s26, v0;
	s30 =	simm.s32 $0xCC;
	s29 =	simm.s32 $0xBB;
	v14 =	vld.idx.msk [tilespmem:v14+s13+$0x0], $0xffff;
	[tilespmem:v20+s14+$0x0] =	vst.idx.msk $0xffff, v10  }
0x5e: {  	s31 =	simm.s32 $0xDD;
	v19 =	vadd.s32 s29, v0;
	v15 =	vadd.s32 s30, v0;
	v24 =	vld.idx.msk [tilespmem:v24+s13+$0x0], $0xffff;
	[tilespmem:v22+s14+$0x0] =	vst.idx.msk $0xffff, v12  }
0x5f: {  	v16 =	vadd.s32 s31, v0;
	v28 =	vld.idx.msk [tilespmem:v18+s13+$0x0], $0xffff;
	v22 =	vor.u32 s21, v7;
	[tilespmem:v29+s14+$0x0] =	vst.idx.msk $0xffff, v23  }
0x60: {  	v13 =	vor.u32 s22, v0;
	v26 =	vld.idx.msk [tilespmem:v21+s13+$0x0], $0xffff;
	v20 =	vor.u32 s21, v8;
	[tilespmem:v34+s14+$0x0] =	vst.idx.msk $0xffff, v32  }
0x61: {  	v18 =	vor.u32 s22, v3;
	v21 =	vld.idx.msk [tilespmem:v33+s13+$0x0], $0xffff;
	v12 =	vor.u32 s22, v2;
	v10 =	vor.u32 s22, v8;
	[tilespmem:v17+s14+$0x0] =	vst.idx.msk $0xffff, v11  }
0x62: {  	s20 =	simm.s32 $0x1;
	v23 =	vld.idx.msk [tilespmem:v30+s13+$0x0], $0xffff;
	s21 =	simm.s32 $0x20F;
	v17 =	vor.u32 s22, v4;
	v11 =	vor.u32 s22, v6;
	[tilespmem:v31+s14+$0x0] =	vst.idx.msk $0xffff, v14;
	v14 =	vor.u32 s22, v5  }
.LBB2_5:
0x63: {  	s22 =	sadd.s32 $0xFFFFFF12, s21;
	s23 =	sadd.s32 $0xFFFFFFEF, s21;
	v29 =	vadd.s32 s21, v0;
	s19 =	sadd.s32 $0x10, s19;
	[tilespmem:v25+s14+$0x0] =	vst.idx.msk $0xffff, v27;
	v25 =	vld.idx.msk [tilespmem:v19+s13+$0x0], $0xffff  }
0x64: {  	s24 =	sadd.s32 $0xFFFFFF34, s21;
	v27 =	vadd.s32 s22, v0;
	s22 =	sadd.s32 $0xFFFFFF23, s21;
	v30 =	vadd.s32 s23, v0;
	p1 =	slt.u32 s19, $0x3F0;
	[tilespmem:v22+s14+$0x0] =	vst.idx.msk $0xffff, v28;
	v22 =	vld.idx.msk [tilespmem:v15+s13+$0x0], $0xffff  }
0x65: {  	v31 =	vadd.s32 s24, v0;
	s23 =	sadd.s32 $0xFFFFFF56, s21;
	s24 =	sadd.s32 $0xFFFFFF67, s21;
	v28 =	vadd.s32 s22, v0;
	s22 =	sadd.s32 $0xFFFFFF45, s21;
	[tilespmem:v20+s14+$0x0] =	vst.idx.msk $0xffff, v26;
	v20 =	vld.idx.msk [tilespmem:v16+s13+$0x0], $0xffff  }
0x66: {  	v32 =	vadd.s32 s23, v0;
	v33 =	vadd.s32 s24, v0;
	s23 =	sadd.s32 $0xFFFFFF89, s21;
	s24 =	sadd.s32 $0xFFFFFF9A, s21;
	v26 =	vadd.s32 s22, v0;
	s22 =	sadd.s32 $0xFFFFFF78, s21;
	[tilespmem:v13+s14+$0x0] =	vst.idx.msk $0xffff, v24  }
0x67: {  	v34 =	vadd.s32 s23, v0;
	v35 =	vadd.s32 s24, v0;
	s23 =	sadd.s32 $0xFFFFFFBC, s21;
	s24 =	sadd.s32 $0xFFFFFFCD, s21;
	v24 =	vadd.s32 s22, v0;
	s22 =	sadd.s32 $0xFFFFFFAB, s21;
	[tilespmem:v12+s14+$0x0] =	vst.idx.msk $0xffff, v23  }
0x68: {  	s25 =	sadd.s32 $0xFFFFFF01, s21;
	s20 =	sadd.s32 $0x2, s20;
	v19 =	vadd.s32 s23, v0;
	v15 =	vadd.s32 s24, v0;
	v36 =	vadd.s32 s22, v0;
	s22 =	sadd.s32 $0xFFFFFFDE, s21;
	v23 =	vld.idx.msk [tilespmem:v29+s13+$0x0], $0xffff  }
0x69: {  	s23 =	sshll.u32 s20, $0x7;
	v29 =	vor.u32 s25, v0;
	v16 =	vadd.s32 s22, v0;
	v30 =	vld.idx.msk [tilespmem:v30+s13+$0x0], $0xffff;
	[tilespmem:v18+s14+$0x0] =	vst.idx.msk $0xffff, v21  }
0x6a: {  	v13 =	vor.u32 s23, v0;
	v12 =	vor.u32 s23, v2;
	v37 =	vor.u32 s23, v7;
	s22 =	sadd.s32 $0xFFFFFF80, s23;
	v21 =	vld.idx.msk [tilespmem:v27+s13+$0x0], $0xffff;
	[tilespmem:v17+s14+$0x0] =	vst.idx.msk $0xffff, v25  }
0x6b: {  	v38 =	vor.u32 s22, v0;
	v39 =	vor.u32 s22, v2;
	v41 =	vor.u32 s22, v3;
	v40 =	vld.idx.msk [tilespmem:v28+s13+$0x0], $0xffff;
	[tilespmem:v14+s14+$0x0] =	vst.idx.msk $0xffff, v22  }
0x6c: {  	v42 =	vor.u32 s22, v4;
	v43 =	vor.u32 s22, v5;
	v25 =	vor.u32 s22, v6;
	v31 =	vld.idx.msk [tilespmem:v31+s13+$0x0], $0xffff;
	[tilespmem:v11+s14+$0x0] =	vst.idx.msk $0xffff, v20  }
0x6d: {  	v18 =	vor.u32 s23, v3;
	v22 =	vor.u32 s22, v7;
	v20 =	vor.u32 s22, v8;
	v44 =	vld.idx.msk [tilespmem:v26+s13+$0x0], $0xffff;
	[tilespmem:v10+s14+$0x0] =	vst.idx.msk $0xffff, v9  }
0x6e: {  	v17 =	vor.u32 s23, v4;
	v14 =	vor.u32 s23, v5;
	v11 =	vor.u32 s23, v6;
	v9 =	vmovc v23;
	v29 =	vld.idx.msk [tilespmem:v29+s13+$0x0], $0xffff  }
0x6f: {  	v10 =	vor.u32 s23, v8;
	v27 =	vld.idx.msk [tilespmem:v32+s13+$0x0], $0xffff;
	[tilespmem:v37+s14+$0x0] =	vst.idx.msk $0xffff, v30  }
.Ltmp3:
0x70: {  	[tilespmem:v39+s14+$0x0] =	vst.idx.msk $0xffff, v21;
	v28 =	vld.idx.msk [tilespmem:v33+s13+$0x0], $0xffff;
	(pc) =	sbr.rel @p1 .LBB2_5-.Ltmp3, $4  }
0x71: {  	[tilespmem:v41+s14+$0x0] =	vst.idx.msk $0xffff, v40;
	v26 =	vld.idx.msk [tilespmem:v24+s13+$0x0], $0xffff  }
0x72: {  	[tilespmem:v42+s14+$0x0] =	vst.idx.msk $0xffff, v31;
	v24 =	vld.idx.msk [tilespmem:v34+s13+$0x0], $0xffff  }
0x73: {  	[tilespmem:v43+s14+$0x0] =	vst.idx.msk $0xffff, v44;
	v23 =	vld.idx.msk [tilespmem:v35+s13+$0x0], $0xffff  }
0x74: {  	s21 =	sadd.s32 $0x110, s21;
	[tilespmem:v38+s14+$0x0] =	vst.idx.msk $0xffff, v29;
	v21 =	vld.idx.msk [tilespmem:v36+s13+$0x0], $0xffff  }
0x75: {  	_ =	sdelay $0x3  }
0x76: {  	[tilespmem:v25+s14+$0x0] =	vst.idx.msk $0xffff, v27  }
0x77: {  	[tilespmem:v22+s14+$0x0] =	vst.idx.msk $0xffff, v28  }
0x78: {  	v19 =	vld.idx.msk [tilespmem:v19+s13+$0x0], $0xffff;
	[tilespmem:v10+s14+$0x0] =	vst.idx.msk $0xffff, v9  }
0x79: {  	v15 =	vld.idx.msk [tilespmem:v15+s13+$0x0], $0xffff;
	[tilespmem:v20+s14+$0x0] =	vst.idx.msk $0xffff, v26  }
0x7a: {  	v16 =	vld.idx.msk [tilespmem:v16+s13+$0x0], $0xffff;
	s17 =	sadd.s32 $0x1, s17;
	[tilespmem:v13+s14+$0x0] =	vst.idx.msk $0xffff, v24  }
0x7b: {  	p1 =	sne.s32 s17, s8;
	[tilespmem:v12+s14+$0x0] =	vst.idx.msk $0xffff, v23  }
.Ltmp4:
0x7c: {  	[tilespmem:v18+s14+$0x0] =	vst.idx.msk $0xffff, v21;
	(pc) =	sbr.rel @p1 .LBB2_2-.Ltmp4, $4  }
0x7d: {  	s18 =	sshll.u32 s18, $0xB;
	[tilespmem:v17+s14+$0x0] =	vst.idx.msk $0xffff, v19  }
0x7e: {  	s18 =	sand.u32 $0x1FFFF800, s18;
	[tilespmem:v14+s14+$0x0] =	vst.idx.msk $0xffff, v15  }
0x7f: {  	s18 =	sadd.s32 s5, s18;
	[tilespmem:v11+s14+$0x0] =	vst.idx.msk $0xffff, v16  }
0x80: {  	[hbm4b:s18+s3] =	stream.linear.scatter [tilespmem:s14], [sflag:$0x2], $0x4000, $0x38;
	[tilespmem:$0xC400] =	vst v63  }
.Ltmp5:
0x81: {  	(pc) =	sbr.rel @p0 .LBB2_13-.Ltmp5, $4  }
0x82: {  	_ = 	snop  }
0x83: {  	_ =	swait.ge [sflag:s15], $0x4000  }
0x84: {  	[sflag:s15] =	ssyncset.done $0x0  }
0x85: {  	[sflag:s15] =	ssyncadd.s32 $0xFFFFC000  }
0x86: {  	s17 =	simm.s32 $0x0  }
0x87: {  	v9 =	vmov s17  }
0x88: {  	v10 =	vor.u32 s17, v0;
	v9 =	vshll.u32 v9, $0x3  }
0x89: {  	[tilespmem:s3], [sflag:$0x1] =	stream.linear.gather [hbm4b:s6+s3], $0x1400, $0x38;
	v10 =	vand.u32 $0x7F, v10;
	v11 =	vand.u32 $0x1C00, v9;
	[tilespmem:$0xC400] =	vst v63  }
0x8a: {  	s18 =	sadd.s32 $0xF4280, s6;
	v11 =	vor.u32 v10, v11  }
0x8b: {  	[tilespmem:s10], [sflag:$0x1] =	stream.linear.gather [hbm4b:s18+s3], $0x1400, $0x38;
	v12 =	vor.u32 $0x80, v11;
	[tilespmem:$0xC400] =	vst v63  }
0x8c: {  	_ =	swait.ge [sflag:s12], $0x2800;
	v13 =	vor.u32 $0x100, v11  }
0x8d: {  	[sflag:s12] =	ssyncset.done $0x0;
	v14 =	vor.u32 $0x180, v11  }
0x8e: {  	[sflag:s12] =	ssyncadd.s32 $0xFFFFD800;
	v15 =	vor.u32 $0x200, v11  }
0x8f: {  	v10 =	vor.u32 v9, v10;
	v17 =	vor.u32 $0x280, v11;
	v16 =	vld.idx.msk [tilespmem:v11+s3+$0x0], $0xffff  }
0x90: {  	v18 =	vor.u32 $0x380, v10;
	v9 =	vld.idx.msk [tilespmem:v12+s3+$0x0], $0xffff  }
0x91: {  	s24 =	simm.s32 $0x2;
	v12 =	vor.u32 $0x300, v11;
	v13 =	vld.idx.msk [tilespmem:v13+s3+$0x0], $0xffff  }
0x92: {  	s25 =	simm.s32 $0x3;
	v19 =	vadd.s32 s24, v1;
	v20 =	vor.u32 $0x2000, v11;
	v14 =	vld.idx.msk [tilespmem:v14+s3+$0x0], $0xffff  }
0x93: {  	s26 =	simm.s32 $0x4;
	v21 =	vadd.s32 s25, v1;
	v22 =	vor.u32 $0x2080, v11;
	v15 =	vld.idx.msk [tilespmem:v15+s3+$0x0], $0xffff  }
0x94: {  	s28 =	simm.s32 $0x5;
	s19 =	simm.s32 $0x6;
	v23 =	vadd.s32 s26, v1;
	v25 =	vor.u32 $0x2200, v11;
	v17 =	vld.idx.msk [tilespmem:v17+s3+$0x0], $0xffff  }
0x95: {  	v26 =	vadd.s32 s28, v1;
	v28 =	vadd.s32 s19, v1;
	s18 =	simm.s32 $0x10;
	v24 =	vor.u32 $0x2100, v11;
	v18 =	vld.idx.msk [tilespmem:v18+s3+$0x0], $0xffff  }
0x96: {  	s29 =	simm.s32 $0x7;
	v30 =	vmov s18;
	v31 =	vor.u32 s18, v0;
	v27 =	vor.u32 $0x2180, v11;
	v12 =	vld.idx.msk [tilespmem:v12+s3+$0x0], $0xffff  }
0x97: {  	s30 =	simm.s32 $0x8;
	v29 =	vor.u32 $0x2280, v11;
	v10 =	vor.u32 $0x2380, v10;
	[tilespmem:v19+s13+$0x0] =	vst.idx.msk $0xffff, v13;
	v13 =	vadd.s32 s29, v1;
	v19 =	vld.idx.msk [tilespmem:v20+s3+$0x0], $0xffff  }
0x98: {  	s31 =	simm.s32 $0x9;
	v20 =	vshll.u32 v30, $0x3;
	[tilespmem:v21+s13+$0x0] =	vst.idx.msk $0xffff, v14;
	v14 =	vadd.s32 s30, v1;
	v21 =	vld.idx.msk [tilespmem:v22+s3+$0x0], $0xffff;
	v22 =	vor.u32 $0x2300, v11  }
0x99: {  	s20 =	simm.s32 $0x0;
	v25 =	vld.idx.msk [tilespmem:v25+s3+$0x0], $0xffff;
	v30 =	vand.u32 $0x7F, v31;
	[tilespmem:v23+s13+$0x0] =	vst.idx.msk $0xffff, v15;
	v15 =	vadd.s32 s31, v1;
	v11 =	vand.u32 $0x1C00, v20  }
0x9a: {  	v31 =	vld.idx.msk [tilespmem:v24+s3+$0x0], $0xffff;
	v23 =	vadd.s32 s20, v1;
	[tilespmem:v26+s13+$0x0] =	vst.idx.msk $0xffff, v17;
	s20 =	simm.s32 $0xB;
	v11 =	vor.u32 v30, v11  }
0x9b: {  	s21 =	simm.s32 $0xC;
	v17 =	vld.idx.msk [tilespmem:v27+s3+$0x0], $0xffff;
	v24 =	vor.u32 $0x80, v11;
	[tilespmem:v28+s13+$0x0] =	vst.idx.msk $0xffff, v12;
	v12 =	vadd.s32 s20, v1  }
0x9c: {  	s22 =	simm.s32 $0xD;
	v33 =	vld.idx.msk [tilespmem:v10+s3+$0x0], $0xffff;
	v34 =	vor.u32 $0x280, v11;
	[tilespmem:v13+s13+$0x0] =	vst.idx.msk $0xffff, v18;
	v13 =	vadd.s32 s21, v1  }
0x9d: {  	s23 =	simm.s32 $0xE;
	v26 =	vor.u32 $0x100, v11;
	v18 =	vld.idx.msk [tilespmem:v29+s3+$0x0], $0xffff;
	[tilespmem:v14+s13+$0x0] =	vst.idx.msk $0xffff, v19;
	v29 =	vadd.s32 s22, v1  }
0x9e: {  	s24 =	simm.s32 $0xF;
	v28 =	vor.u32 $0x180, v11;
	v22 =	vld.idx.msk [tilespmem:v22+s3+$0x0], $0xffff;
	[tilespmem:v15+s13+$0x0] =	vst.idx.msk $0xffff, v21;
	v21 =	vadd.s32 s23, v1  }
0x9f: {  	s25 =	simm.s32 $0xA;
	v32 =	vor.u32 $0x200, v11;
	[tilespmem:v23+s13+$0x0] =	vst.idx.msk $0xffff, v16;
	v16 =	vadd.s32 s24, v1;
	v10 =	vld.idx.msk [tilespmem:v11+s3+$0x0], $0xffff  }
0xa0: {  	s28 =	simm.s32 $0x1;
	v36 =	vadd.s32 s25, v1;
	v35 =	vor.u32 $0x300, v11;
	v15 =	vor.u32 v20, v30;
	v14 =	vld.idx.msk [tilespmem:v24+s3+$0x0], $0xffff;
	[tilespmem:v12+s13+$0x0] =	vst.idx.msk $0xffff, v17  }
0xa1: {  	s29 =	simm.s32 $0x112;
	v30 =	vadd.s32 s28, v1;
	v27 =	vor.u32 $0x380, v15;
	v20 =	vld.idx.msk [tilespmem:v34+s3+$0x0], $0xffff;
	[tilespmem:v13+s13+$0x0] =	vst.idx.msk $0xffff, v25  }
0xa2: {  	s30 =	simm.s32 $0x113;
	v23 =	vor.u32 $0x2000, v11;
	v17 =	vld.idx.msk [tilespmem:v26+s3+$0x0], $0xffff;
	[tilespmem:v29+s13+$0x0] =	vst.idx.msk $0xffff, v18;
	v25 =	vadd.s32 s29, v1  }
0xa3: {  	s31 =	simm.s32 $0x115;
	s21 =	simm.s32 $0x114;
	v19 =	vld.idx.msk [tilespmem:v28+s3+$0x0], $0xffff;
	[tilespmem:v21+s13+$0x0] =	vst.idx.msk $0xffff, v22;
	v28 =	vadd.s32 s30, v1;
	v26 =	vor.u32 $0x2080, v11  }
0xa4: {  	s26 =	simm.s32 $0x110;
	s19 =	simm.s32 $0x11F;
	v24 =	vadd.s32 s31, v1;
	v18 =	vld.idx.msk [tilespmem:v32+s3+$0x0], $0xffff;
	v22 =	vadd.s32 s21, v1;
	[tilespmem:v16+s13+$0x0] =	vst.idx.msk $0xffff, v33;
	v16 =	vor.u32 $0x2100, v11  }
0xa5: {  	s20 =	simm.s32 $0x111;
	s22 =	simm.s32 $0x116;
	[tilespmem:v36+s13+$0x0] =	vst.idx.msk $0xffff, v31;
	v13 =	vor.u32 $0x2200, v11;
	v12 =	vadd.s32 s26, v1;
	v21 =	vld.idx.msk [tilespmem:v35+s3+$0x0], $0xffff;
	v29 =	vor.u32 $0x2180, v11;
	s21 =	simm.s32 $0x11F  }
.LBB2_9:
0xa6: {  	s18 =	sadd.s32 $0x10, s18;
	v31 =	vadd.s32 s22, v1;
	v27 =	vld.idx.msk [tilespmem:v27+s3+$0x0], $0xffff;
	s22 =	sadd.s32 $0xFFFFFFF8, s19;
	v32 =	vor.u32 $0x2280, v11;
	v33 =	vor.u32 $0x2380, v15;
	[tilespmem:v30+s13+$0x0] =	vst.idx.msk $0xffff, v9;
	v9 =	vmovc v14  }
0xa7: {  	v14 =	vmov s18;
	v15 =	vor.u32 s18, v0;
	p1 =	slt.u32 s18, $0x270;
	[tilespmem:v25+s13+$0x0] =	vst.idx.msk $0xffff, v17;
	v17 =	vadd.s32 s22, v1;
	v23 =	vld.idx.msk [tilespmem:v23+s3+$0x0], $0xffff;
	s22 =	sadd.s32 $0xFFFFFFF9, s19  }
0xa8: {  	v14 =	vshll.u32 v14, $0x3;
	[tilespmem:v28+s13+$0x0] =	vst.idx.msk $0xffff, v19;
	v19 =	vadd.s32 s22, v1;
	v25 =	vld.idx.msk [tilespmem:v26+s3+$0x0], $0xffff;
	s22 =	sadd.s32 $0xFFFFFFFA, s19;
	v26 =	vor.u32 $0x2300, v11  }
0xa9: {  	v15 =	vand.u32 $0x7F, v15;
	v11 =	vand.u32 $0x1C00, v14;
	[tilespmem:v22+s13+$0x0] =	vst.idx.msk $0xffff, v18;
	v18 =	vadd.s32 s22, v1;
	v34 =	vld.idx.msk [tilespmem:v16+s3+$0x0], $0xffff;
	s22 =	sadd.s32 $0xFFFFFFFB, s19  }
0xaa: {  	s23 =	sadd.s32 $0xFFFFFFFC, s19;
	v11 =	vor.u32 v15, v11;
	v15 =	vor.u32 v14, v15;
	[tilespmem:v24+s13+$0x0] =	vst.idx.msk $0xffff, v20;
	v16 =	vld.idx.msk [tilespmem:v29+s3+$0x0], $0xffff  }
0xab: {  	v20 =	vadd.s32 s23, v1;
	s23 =	sadd.s32 $0xFFFFFFFD, s19;
	v14 =	vor.u32 $0x80, v11;
	[tilespmem:v31+s13+$0x0] =	vst.idx.msk $0xffff, v21;
	v21 =	vld.idx.msk [tilespmem:v13+s3+$0x0], $0xffff;
	v13 =	vor.u32 $0x2200, v11  }
0xac: {  	v22 =	vor.u32 $0x100, v11;
	v24 =	vadd.s32 s23, v1;
	s23 =	sadd.s32 $0xFFFFFFFE, s19;
	[tilespmem:v17+s13+$0x0] =	vst.idx.msk $0xffff, v27;
	v28 =	vld.idx.msk [tilespmem:v32+s3+$0x0], $0xffff  }
0xad: {  	v29 =	vor.u32 $0x180, v11;
	v31 =	vadd.s32 s23, v1;
	s23 =	sadd.s32 $0xFFFFFFFF, s19;
	[tilespmem:v19+s13+$0x0] =	vst.idx.msk $0xffff, v23;
	v32 =	vld.idx.msk [tilespmem:v26+s3+$0x0], $0xffff  }
0xae: {  	s19 =	sadd.s32 $0x110, s19;
	v26 =	vor.u32 $0x200, v11;
	v35 =	vadd.s32 s23, v1;
	[tilespmem:v18+s13+$0x0] =	vst.idx.msk $0xffff, v25;
	v33 =	vld.idx.msk [tilespmem:v33+s3+$0x0], $0xffff  }
0xaf: {  	v37 =	vadd.s32 s21, v1;
	v36 =	vor.u32 $0x280, v11;
	s23 =	sadd.s32 $0xFFFFFFF1, s19;
	s24 =	sadd.s32 $0xFFFFFFF2, s19;
	s21 =	smov.u32 s19;
	[tilespmem:v12+s13+$0x0] =	vst.idx.msk $0xffff, v10;
	v10 =	vld.idx.msk [tilespmem:v11+s3+$0x0], $0xffff  }
0xb0: {  	v39 =	vadd.s32 s22, v1;
	v38 =	vor.u32 $0x300, v11;
	v12 =	vadd.s32 s23, v1;
	v14 =	vld.idx.msk [tilespmem:v14+s3+$0x0], $0xffff;
	[tilespmem:v20+s13+$0x0] =	vst.idx.msk $0xffff, v16  }
.Ltmp6:
0xb1: {  	v30 =	vadd.s32 s20, v1;
	v27 =	vor.u32 $0x380, v15;
	s22 =	sadd.s32 $0xFFFFFFF3, s19;
	s20 =	smov.u32 s24;
	v17 =	vld.idx.msk [tilespmem:v22+s3+$0x0], $0xffff;
	[tilespmem:v24+s13+$0x0] =	vst.idx.msk $0xffff, v21;
	(pc) =	sbr.rel @p1 .LBB2_9-.Ltmp6, $4  }
0xb2: {  	v23 =	vor.u32 $0x2000, v11;
	v25 =	vadd.s32 s22, v1;
	s22 =	sadd.s32 $0xFFFFFFF4, s19;
	v19 =	vld.idx.msk [tilespmem:v29+s3+$0x0], $0xffff;
	[tilespmem:v31+s13+$0x0] =	vst.idx.msk $0xffff, v28  }
0xb3: {  	v28 =	vadd.s32 s22, v1;
	s22 =	sadd.s32 $0xFFFFFFF5, s19;
	v18 =	vld.idx.msk [tilespmem:v26+s3+$0x0], $0xffff;
	v26 =	vor.u32 $0x2080, v11;
	[tilespmem:v35+s13+$0x0] =	vst.idx.msk $0xffff, v32  }
0xb4: {  	v16 =	vor.u32 $0x2100, v11;
	v22 =	vadd.s32 s22, v1;
	s22 =	sadd.s32 $0xFFFFFFF6, s19;
	v20 =	vld.idx.msk [tilespmem:v36+s3+$0x0], $0xffff;
	[tilespmem:v37+s13+$0x0] =	vst.idx.msk $0xffff, v33  }
0xb5: {  	v29 =	vor.u32 $0x2180, v11;
	v24 =	vadd.s32 s22, v1;
	s22 =	sadd.s32 $0xFFFFFFF7, s19;
	v21 =	vld.idx.msk [tilespmem:v38+s3+$0x0], $0xffff;
	[tilespmem:v39+s13+$0x0] =	vst.idx.msk $0xffff, v34  }
0xb6: {  	_ =	sdelay $0x3  }
0xb7: {  	[tilespmem:v30+s13+$0x0] =	vst.idx.msk $0xffff, v9  }
0xb8: {  	v31 =	vadd.s32 s22, v1;
	s18 =	sadd.s32 $0xFFFFFFF8, s19;
	[tilespmem:v25+s13+$0x0] =	vst.idx.msk $0xffff, v17  }
0xb9: {  	v9 =	vld.idx.msk [tilespmem:v27+s3+$0x0], $0xffff;
	s29 =	sadd.s32 $0xFFFFFFF9, s19;
	[tilespmem:v12+s13+$0x0] =	vst.idx.msk $0xffff, v10;
	v17 =	vadd.s32 s18, v1  }
0xba: {  	v23 =	vld.idx.msk [tilespmem:v23+s3+$0x0], $0xffff;
	v15 =	vor.u32 $0x2380, v15;
	s25 =	sadd.s32 $0xFFFFFFFB, s19;
	[tilespmem:v28+s13+$0x0] =	vst.idx.msk $0xffff, v19;
	v19 =	vadd.s32 s29, v1  }
0xbb: {  	v25 =	vor.u32 $0x2280, v11;
	s30 =	sadd.s32 $0xFFFFFFFA, s19;
	v12 =	vld.idx.msk [tilespmem:v16+s3+$0x0], $0xffff;
	v16 =	vadd.s32 s25, v1;
	[tilespmem:v22+s13+$0x0] =	vst.idx.msk $0xffff, v18  }
0xbc: {  	v26 =	vld.idx.msk [tilespmem:v26+s3+$0x0], $0xffff;
	v11 =	vor.u32 $0x2300, v11;
	s31 =	sadd.s32 $0xFFFFFFFC, s19;
	v18 =	vadd.s32 s30, v1;
	[tilespmem:v24+s13+$0x0] =	vst.idx.msk $0xffff, v20  }
0xbd: {  	s22 =	sadd.s32 $0xFFFFFFFD, s19;
	v20 =	vld.idx.msk [tilespmem:v29+s3+$0x0], $0xffff;
	[tilespmem:v31+s13+$0x0] =	vst.idx.msk $0xffff, v21;
	v21 =	vadd.s32 s31, v1  }
0xbe: {  	v13 =	vld.idx.msk [tilespmem:v13+s3+$0x0], $0xffff;
	[tilespmem:v17+s13+$0x0] =	vst.idx.msk $0xffff, v9;
	v9 =	vadd.s32 s22, v1  }
0xbf: {  	s23 =	sadd.s32 $0xFFFFFFFE, s19;
	v10 =	vadd.s32 s21, v1;
	v15 =	vld.idx.msk [tilespmem:v15+s3+$0x0], $0xffff;
	[tilespmem:v19+s13+$0x0] =	vst.idx.msk $0xffff, v23  }
0xc0: {  	s24 =	sadd.s32 $0xFFFFFFFF, s19;
	v17 =	vld.idx.msk [tilespmem:v25+s3+$0x0], $0xffff;
	v19 =	vadd.s32 s23, v1;
	[tilespmem:v16+s13+$0x0] =	vst.idx.msk $0xffff, v12  }
0xc1: {  	v11 =	vld.idx.msk [tilespmem:v11+s3+$0x0], $0xffff;
	[tilespmem:v18+s13+$0x0] =	vst.idx.msk $0xffff, v26;
	v18 =	vadd.s32 s24, v1  }
0xc2: {  	s26 =	simm.s32 $0xFF;
	[tilespmem:v21+s13+$0x0] =	vst.idx.msk $0xffff, v20;
	v20 =	vadd.s32 s20, v1  }
0xc3: {  	s29 =	simm.s32 $0x11;
	[tilespmem:v9+s13+$0x0] =	vst.idx.msk $0xffff, v13;
	v9 =	vadd.s32 s26, v0  }
0xc4: {  	s30 =	simm.s32 $0x22;
	[tilespmem:v10+s13+$0x0] =	vst.idx.msk $0xffff, v15;
	v10 =	vadd.s32 s29, v0  }
0xc5: {  	s31 =	simm.s32 $0x33;
	v12 =	vadd.s32 s30, v0;
	[tilespmem:v19+s13+$0x0] =	vst.idx.msk $0xffff, v17  }
0xc6: {  	s20 =	simm.s32 $0x0;
	v13 =	vadd.s32 s31, v0;
	[tilespmem:v18+s13+$0x0] =	vst.idx.msk $0xffff, v11  }
0xc7: {  	s21 =	simm.s32 $0x55;
	v15 =	vor.u32 s20, v0;
	[tilespmem:v20+s13+$0x0] =	vst.idx.msk $0xffff, v14  }
0xc8: {  	s28 =	simm.s32 $0xEE;
	v16 =	vadd.s32 s21, v0;
	v9 =	vld.idx.msk [tilespmem:v9+s13+$0x0], $0xffff  }
0xc9: {  	s19 =	simm.s32 $0x44;
	s23 =	simm.s32 $0x0;
	v11 =	vadd.s32 s28, v0;
	v10 =	vld.idx.msk [tilespmem:v10+s13+$0x0], $0xffff  }
0xca: {  	s24 =	simm.s32 $0x77;
	v14 =	vadd.s32 s19, v0;
	v20 =	vor.u32 s23, v2;
	v12 =	vld.idx.msk [tilespmem:v12+s13+$0x0], $0xffff  }
0xcb: {  	s22 =	simm.s32 $0x66;
	v22 =	vor.u32 s23, v3;
	v21 =	vadd.s32 s24, v0;
	v23 =	vld.idx.msk [tilespmem:v13+s13+$0x0], $0xffff  }
0xcc: {  	s25 =	simm.s32 $0x88;
	v29 =	vor.u32 s23, v4;
	v18 =	vadd.s32 s22, v0;
	v32 =	vld.idx.msk [tilespmem:v15+s13+$0x0], $0xffff  }
0xcd: {  	v24 =	vadd.s32 s25, v0;
	v34 =	vor.u32 s23, v0;
	s20 =	simm.s32 $0x80;
	s28 =	simm.s32 $0xAA;
	v27 =	vld.idx.msk [tilespmem:v16+s13+$0x0], $0xffff  }
0xce: {  	s26 =	simm.s32 $0x99;
	v17 =	vor.u32 s20, v7;
	v33 =	vadd.s32 s28, v0;
	v11 =	vld.idx.msk [tilespmem:v11+s13+$0x0], $0xffff  }
0xcf: {  	s30 =	simm.s32 $0xCC;
	v31 =	vor.u32 s23, v5;
	v25 =	vor.u32 s23, v6;
	s29 =	simm.s32 $0xBB;
	v30 =	vadd.s32 s26, v0;
	v14 =	vld.idx.msk [tilespmem:v14+s13+$0x0], $0xffff;
	[tilespmem:v20+s14+$0x0] =	vst.idx.msk $0xffff, v10  }
0xd0: {  	v19 =	vadd.s32 s29, v0;
	s31 =	simm.s32 $0xDD;
	v15 =	vadd.s32 s30, v0;
	v26 =	vld.idx.msk [tilespmem:v21+s13+$0x0], $0xffff;
	[tilespmem:v22+s14+$0x0] =	vst.idx.msk $0xffff, v12  }
0xd1: {  	v16 =	vadd.s32 s31, v0;
	v28 =	vld.idx.msk [tilespmem:v18+s13+$0x0], $0xffff;
	v22 =	vor.u32 s23, v7;
	[tilespmem:v29+s14+$0x0] =	vst.idx.msk $0xffff, v23  }
0xd2: {  	v13 =	vor.u32 s20, v0;
	v24 =	vld.idx.msk [tilespmem:v24+s13+$0x0], $0xffff;
	v20 =	vor.u32 s23, v8;
	[tilespmem:v34+s14+$0x0] =	vst.idx.msk $0xffff, v32  }
0xd3: {  	v18 =	vor.u32 s20, v3;
	v21 =	vld.idx.msk [tilespmem:v33+s13+$0x0], $0xffff;
	v12 =	vor.u32 s20, v6;
	v10 =	vor.u32 s20, v8;
	[tilespmem:v17+s14+$0x0] =	vst.idx.msk $0xffff, v11  }
0xd4: {  	s18 =	simm.s32 $0x1;
	s19 =	simm.s32 $0x20F;
	v23 =	vld.idx.msk [tilespmem:v30+s13+$0x0], $0xffff;
	v11 =	vor.u32 s20, v2;
	v17 =	vor.u32 s20, v4;
	[tilespmem:v31+s14+$0x0] =	vst.idx.msk $0xffff, v14;
	v14 =	vor.u32 s20, v5  }
.LBB2_11:
0xd5: {  	s20 =	sadd.s32 $0xFFFFFF12, s19;
	s21 =	sadd.s32 $0xFFFFFFEF, s19;
	v29 =	vadd.s32 s19, v0;
	s17 =	sadd.s32 $0x10, s17;
	[tilespmem:v25+s14+$0x0] =	vst.idx.msk $0xffff, v27;
	v25 =	vld.idx.msk [tilespmem:v19+s13+$0x0], $0xffff  }
0xd6: {  	s22 =	sadd.s32 $0xFFFFFF34, s19;
	v27 =	vadd.s32 s20, v0;
	s20 =	sadd.s32 $0xFFFFFF23, s19;
	v30 =	vadd.s32 s21, v0;
	p1 =	slt.u32 s17, $0x270;
	[tilespmem:v22+s14+$0x0] =	vst.idx.msk $0xffff, v28;
	v22 =	vld.idx.msk [tilespmem:v15+s13+$0x0], $0xffff  }
0xd7: {  	v31 =	vadd.s32 s22, v0;
	s21 =	sadd.s32 $0xFFFFFF56, s19;
	s22 =	sadd.s32 $0xFFFFFF67, s19;
	v28 =	vadd.s32 s20, v0;
	s20 =	sadd.s32 $0xFFFFFF45, s19;
	[tilespmem:v20+s14+$0x0] =	vst.idx.msk $0xffff, v26;
	v20 =	vld.idx.msk [tilespmem:v16+s13+$0x0], $0xffff  }
0xd8: {  	v32 =	vadd.s32 s21, v0;
	v33 =	vadd.s32 s22, v0;
	s21 =	sadd.s32 $0xFFFFFF89, s19;
	s22 =	sadd.s32 $0xFFFFFF9A, s19;
	v26 =	vadd.s32 s20, v0;
	s20 =	sadd.s32 $0xFFFFFF78, s19;
	[tilespmem:v13+s14+$0x0] =	vst.idx.msk $0xffff, v24  }
0xd9: {  	v34 =	vadd.s32 s21, v0;
	v35 =	vadd.s32 s22, v0;
	s21 =	sadd.s32 $0xFFFFFFBC, s19;
	s22 =	sadd.s32 $0xFFFFFFCD, s19;
	v24 =	vadd.s32 s20, v0;
	s20 =	sadd.s32 $0xFFFFFFAB, s19;
	[tilespmem:v11+s14+$0x0] =	vst.idx.msk $0xffff, v23  }
0xda: {  	s23 =	sadd.s32 $0xFFFFFF01, s19;
	s18 =	sadd.s32 $0x2, s18;
	v19 =	vadd.s32 s21, v0;
	v15 =	vadd.s32 s22, v0;
	v36 =	vadd.s32 s20, v0;
	s20 =	sadd.s32 $0xFFFFFFDE, s19;
	v23 =	vld.idx.msk [tilespmem:v29+s13+$0x0], $0xffff  }
0xdb: {  	s21 =	sshll.u32 s18, $0x7;
	v29 =	vor.u32 s23, v0;
	v16 =	vadd.s32 s20, v0;
	v30 =	vld.idx.msk [tilespmem:v30+s13+$0x0], $0xffff;
	[tilespmem:v18+s14+$0x0] =	vst.idx.msk $0xffff, v21  }
0xdc: {  	v13 =	vor.u32 s21, v0;
	v11 =	vor.u32 s21, v2;
	v37 =	vor.u32 s21, v7;
	s20 =	sadd.s32 $0xFFFFFF80, s21;
	v21 =	vld.idx.msk [tilespmem:v27+s13+$0x0], $0xffff;
	[tilespmem:v17+s14+$0x0] =	vst.idx.msk $0xffff, v25  }
0xdd: {  	v38 =	vor.u32 s20, v0;
	v39 =	vor.u32 s20, v2;
	v41 =	vor.u32 s20, v3;
	v40 =	vld.idx.msk [tilespmem:v28+s13+$0x0], $0xffff;
	[tilespmem:v14+s14+$0x0] =	vst.idx.msk $0xffff, v22  }
0xde: {  	v42 =	vor.u32 s20, v4;
	v43 =	vor.u32 s20, v5;
	v25 =	vor.u32 s20, v6;
	v31 =	vld.idx.msk [tilespmem:v31+s13+$0x0], $0xffff;
	[tilespmem:v12+s14+$0x0] =	vst.idx.msk $0xffff, v20  }
0xdf: {  	v18 =	vor.u32 s21, v3;
	v22 =	vor.u32 s20, v7;
	v20 =	vor.u32 s20, v8;
	v44 =	vld.idx.msk [tilespmem:v26+s13+$0x0], $0xffff;
	[tilespmem:v10+s14+$0x0] =	vst.idx.msk $0xffff, v9  }
0xe0: {  	v17 =	vor.u32 s21, v4;
	v14 =	vor.u32 s21, v5;
	v12 =	vor.u32 s21, v6;
	v9 =	vmovc v23;
	v29 =	vld.idx.msk [tilespmem:v29+s13+$0x0], $0xffff  }
0xe1: {  	v10 =	vor.u32 s21, v8;
	v27 =	vld.idx.msk [tilespmem:v32+s13+$0x0], $0xffff;
	[tilespmem:v37+s14+$0x0] =	vst.idx.msk $0xffff, v30  }
.Ltmp7:
0xe2: {  	[tilespmem:v39+s14+$0x0] =	vst.idx.msk $0xffff, v21;
	v28 =	vld.idx.msk [tilespmem:v33+s13+$0x0], $0xffff;
	(pc) =	sbr.rel @p1 .LBB2_11-.Ltmp7, $4  }
0xe3: {  	[tilespmem:v41+s14+$0x0] =	vst.idx.msk $0xffff, v40;
	v26 =	vld.idx.msk [tilespmem:v24+s13+$0x0], $0xffff  }
0xe4: {  	[tilespmem:v42+s14+$0x0] =	vst.idx.msk $0xffff, v31;
	v24 =	vld.idx.msk [tilespmem:v34+s13+$0x0], $0xffff  }
0xe5: {  	[tilespmem:v43+s14+$0x0] =	vst.idx.msk $0xffff, v44;
	v23 =	vld.idx.msk [tilespmem:v35+s13+$0x0], $0xffff  }
0xe6: {  	s19 =	sadd.s32 $0x110, s19;
	[tilespmem:v38+s14+$0x0] =	vst.idx.msk $0xffff, v29;
	v21 =	vld.idx.msk [tilespmem:v36+s13+$0x0], $0xffff  }
0xe7: {  	_ =	sdelay $0x3  }
0xe8: {  	[tilespmem:v25+s14+$0x0] =	vst.idx.msk $0xffff, v27  }
0xe9: {  	[tilespmem:v22+s14+$0x0] =	vst.idx.msk $0xffff, v28  }
0xea: {  	v19 =	vld.idx.msk [tilespmem:v19+s13+$0x0], $0xffff;
	[tilespmem:v10+s14+$0x0] =	vst.idx.msk $0xffff, v9  }
0xeb: {  	v15 =	vld.idx.msk [tilespmem:v15+s13+$0x0], $0xffff;
	[tilespmem:v20+s14+$0x0] =	vst.idx.msk $0xffff, v26  }
0xec: {  	v16 =	vld.idx.msk [tilespmem:v16+s13+$0x0], $0xffff;
	[tilespmem:v13+s14+$0x0] =	vst.idx.msk $0xffff, v24  }
0xed: {  	[tilespmem:v11+s14+$0x0] =	vst.idx.msk $0xffff, v23  }
0xee: {  	[tilespmem:v18+s14+$0x0] =	vst.idx.msk $0xffff, v21  }
0xef: {  	[tilespmem:v17+s14+$0x0] =	vst.idx.msk $0xffff, v19  }
0xf0: {  	[tilespmem:v14+s14+$0x0] =	vst.idx.msk $0xffff, v15  }
.Ltmp8:
0xf1: {  	[tilespmem:v12+s14+$0x0] =	vst.idx.msk $0xffff, v16;
	(pc) =	sbr.rel .LBB2_13-.Ltmp8, $4  }
0xf2: {  	[hbm4b:s7+s3] =	stream.linear.scatter [tilespmem:s14], [sflag:$0x2], $0x2400, $0x38;
	[tilespmem:$0xC400] =	vst v63  }
0xf3: {  	_ =	swait.ge [sflag:s15], $0x2400  }
0xf4: {  	[sflag:s15] =	ssyncset.done $0x0  }
0xf5: {  	[sflag:s15] =	ssyncadd.s32 $0xFFFFDC00  }
.LBB2_14:
0xf6: {  	_ =	sfence.sel $0x180000  }
0xf7: {  	[bflag:$0x0] =	sbarrier.arrive $0xFFFF  }
0xf8: {  	p0 =	sne.s32 s2, $0x0;
	_ =	strace $0x90000047  }
0xf9: {  	s0 =	sadd.s32 @!p0 $0x100000, s0;
	[bflag:$0x2] =	sbarrier.arrive $0xFFFF  }
0xfa: {  	[sflag:s0] =	ssyncadd.tile.s32 @!p0 $0x1;
	_ =	shalt  }
.Lfunc_end2:
_tile_overlayer_lowered:
.L_overlay_start_2:
0xfb: {  	(tag) =	ssettag $0x2  }
0xfc: {  	s0 =	rddreg [dreg:$0x0];
	s2 =	stileid.u32  }
0xfd: {  	s1 =	rddreg [dreg:$0x1];
	p0 =	sne.s32 s2, $0x0  }
0xfe: {  	s3 =	rddreg [dreg:$0x2];
	[bflag:$0x3] =	sbarrier.arrive $0xFFFF;
	s2 =	simm.s32 @!p0 $0x1C03  }
0xff: {  	[timem:s3], [sflag:s2] =	dma.local @!p0 [hbm:s0], s1  }
0x100: {  	s0 =	simm.s32 @!p0 $0x3  }
0x101: {  	_ =	swait.ge @!p0 [sflag:s0], s1  }
0x102: {  	s1 =	ssub.s32 @!p0 $0x0, s1;
	[sflag:s0] =	ssyncset.done @!p0 $0x0  }
0x103: {  	[sflag:s0] =	ssyncadd.s32 @!p0 s1  }
0x104: {  	[bflag:$0x3] =	sbarrier.arrive $0xFFFF  }
0x105: {  	_ =	shalt  }

// kernel: kernel.7.cloned.1.call-start
scs
__scs_entry_jumppad:
0x0: {  	(pc) =	sbr.rel $0x88, $3  }
0x1: {  	(tag) =	ssettag $0x0;
	lr =	simm.s32 $0x1  }
0x2: {  	[smem:$0x3F9F] =	sst lr;
	_ =	strace $0xD0000000  }
0x3: {  	_ = 	snop  }
0x4: {  	_ = 	snop  }
0x5: {  	_ = 	snop  }
0x6: {  	_ = 	snop  }
0x7: {  	_ = 	snop  }
__scs_overlays_trampoline_lowered:
0x8: {  	[smem:$0x3FAE] =	sst s0  }
0x9: {  	[smem:$0x3FAF] =	sst s1  }
0xa: {  	[smem:$0x3FB0] =	sst s2  }
0xb: {  	[smem:$0x3FB1] =	sst s3  }
0xc: {  	[smem:$0x3FB2] =	sst s4  }
0xd: {  	[smem:$0x3FB3] =	sst s5  }
0xe: {  	[smem:$0x3FB4] =	sst s6  }
0xf: {  	[smem:$0x3FB5] =	sst s7  }
0x10: {  	[smem:$0x3FB6] =	sst s8  }
0x11: {  	[smem:$0x3FB7] =	sst s9;
	s0 =	simm.s32 @!p0 $0x0  }
0x12: {  	s1 =	sld [smem:$0x3F9D];
	s0 =	simm.s32 @p0 $0x1  }
0x13: {  	[smem:$0x3FB8] =	sst s0;
	s0 =	simm.s32 @!p1 $0x0  }
0x14: {  	s2 =	sld [smem:$0x3F9C];
	s0 =	simm.s32 @p1 $0x1  }
0x15: {  	[smem:$0x3FB9] =	sst s0;
	s0 =	simm.s32 @!p2 $0x0  }
0x16: {  	s3 =	sld [smem:$0x3FDB];
	s0 =	simm.s32 @p2 $0x1  }
0x17: {  	s4 =	simm.s32 $0x1BF5;
	[smem:$0x3FBB] =	sst s0  }
0x18: {  	s0 =	sld [smem:$0x3F9E];
	_ =	swait.ge [sflag:s4], $0x0  }
0x19: {  	s7 =	sld [smem:$0x3F9F]  }
0x1a: {  	s8 =	sadd.s32 $0xFFFFE003, lr  }
0x1b: {  	s9 =	sadd.s32 $0xFFFFFEF7, lr;
	s5 =	simm.s32 $0xFFFFFFFF;
	p2 =	slt.u32 s8, $0xFFFFF086  }
0x1c: {  	p1 =	slt.u32 s9, $0xF7A;
	s5 =	simm.s32 @!p2 $0x0  }
0x1d: {  	s5 =	simm.s32 @p1 $0x1;
	p0 =	seq.s32 s7, s2  }
0x1e: {  	s7 =	smul.u32 @!p0 $0xF7A, s2;
	p2 =	seq.s32 @!p0 s5, $0x0  }
0x1f: {  	s9 =	smul.u32 $0xF7A, s1;
	s8 =	simm.s32 @!p0 $0x1BF5;
	p2 =	por !p2, p0  }
0x20: {  	[sflag:s8] =	ssyncset.s32 @!p0 $0xFFFFF086;
	s6 =	sadd.s32 @!p0 s3, s7;
	s7 =	simm.s32 @!p0 $0x108  }
0x21: {  	s3 =	sadd.s32 s3, s9;
	s6 =	sadd.s32 @!p0 $0x88, s6;
	s7 =	simm.s32 @p2 $0x1082  }
0x22: {  	[simem:s7], [sflag:s8] =	dma.local @!p0 [hbm:s6], $0xF7A  }
0x23: {  	s9 =	sor.u32 $0xD0000000, s2;
	s6 =	simm.s32 $0x108;
	_ =	swait.ge @!p0 [sflag:s8], $0x0  }
0x24: {  	s3 =	sadd.s32 $0x88, s3;
	s6 =	simm.s32 @!p1 $0x1082;
	[sflag:s4] =	ssyncset.s32 $0xFFFFF086  }
0x25: {  	[simem:s6], [sflag:s4] =	dma.local [hbm:s3], $0xF7A  }
0x26: {  	[smem:$0x3F9F] =	sst s1;
	(tag) =	ssettag s2;
	_ =	strace s9  }
0x27: {  	s1 =	sld [smem:$0x3FAF]  }
0x28: {  	s2 =	sld [smem:$0x3FB0]  }
0x29: {  	s4 =	sld [smem:$0x3FB2]  }
0x2a: {  	p0 =	seq.s32 s5, $0x0;
	s5 =	sld [smem:$0x3FB3]  }
0x2b: {  	s6 =	sld [smem:$0x3FB4]  }
0x2c: {  	s7 =	sld [smem:$0x3FB5]  }
0x2d: {  	s3 =	simm.s32 $0x108;
	s8 =	sld [smem:$0x3FB6]  }
0x2e: {  	s3 =	simm.s32 @!p0 $0x1082;
	s9 =	sld [smem:$0x3FB7]  }
0x2f: {  	lr =	sadd.s32 s0, s3;
	s0 =	sld [smem:$0x3FAE]  }
0x30: {  	s3 =	sld [smem:$0x3FB1]  }
0x31: {  	[smem:$0x3FBA] =	sst s10  }
0x32: {  	s10 =	sld [smem:$0x3FB8];
	_ =	sdelay $0x3  }
0x33: {  	p0 =	seq.s32 s10, $0x1;
	s10 =	sld [smem:$0x3FBA];
	_ =	sdelay $0x3  }
0x34: {  	[smem:$0x3FBA] =	sst s10  }
0x35: {  	s10 =	sld [smem:$0x3FB9];
	_ =	sdelay $0x3  }
0x36: {  	p1 =	seq.s32 s10, $0x1;
	s10 =	sld [smem:$0x3FBA];
	_ =	sdelay $0x3  }
0x37: {  	[smem:$0x3FBA] =	sst s10  }
0x38: {  	s10 =	sld [smem:$0x3FBB]  }
0x39: {  	_ = 	snop;
	(pc) =	sbr.ind lr, $3  }
0x3a: {  	_ = 	snop  }
0x3b: {  	_ = 	snop  }
0x3c: {  	p2 =	seq.s32 s10, $0x1;
	s10 =	sld [smem:$0x3FBA]  }
0x3d: {  	_ =	shalt  }
0x3e: {  	_ =	shalt  }
0x3f: {  	_ =	shalt  }
0x40: {  	_ =	shalt  }
0x41: {  	_ =	shalt  }
0x42: {  	_ =	shalt  }
0x43: {  	_ =	shalt  }
0x44: {  	_ =	shalt  }
0x45: {  	_ =	shalt  }
0x46: {  	_ =	shalt  }
0x47: {  	_ =	shalt  }
0x48: {  	_ =	shalt  }
0x49: {  	_ =	shalt  }
0x4a: {  	_ =	shalt  }
0x4b: {  	_ =	shalt  }
0x4c: {  	_ =	shalt  }
0x4d: {  	_ =	shalt  }
0x4e: {  	_ =	shalt  }
0x4f: {  	_ =	shalt  }
0x50: {  	_ =	shalt  }
0x51: {  	_ =	shalt  }
0x52: {  	_ =	shalt  }
0x53: {  	_ =	shalt  }
0x54: {  	_ =	shalt  }
0x55: {  	_ =	shalt  }
0x56: {  	_ =	shalt  }
0x57: {  	_ =	shalt  }
0x58: {  	_ =	shalt  }
0x59: {  	_ =	shalt  }
0x5a: {  	_ =	shalt  }
0x5b: {  	_ =	shalt  }
0x5c: {  	_ =	shalt  }
0x5d: {  	_ =	shalt  }
0x5e: {  	_ =	shalt  }
0x5f: {  	_ =	shalt  }
0x60: {  	_ =	shalt  }
0x61: {  	_ =	shalt  }
0x62: {  	_ =	shalt  }
0x63: {  	_ =	shalt  }
0x64: {  	_ =	shalt  }
0x65: {  	_ =	shalt  }
0x66: {  	_ =	shalt  }
0x67: {  	_ =	shalt  }
0x68: {  	_ =	shalt  }
0x69: {  	_ =	shalt  }
0x6a: {  	_ =	shalt  }
0x6b: {  	_ =	shalt  }
0x6c: {  	_ =	shalt  }
0x6d: {  	_ =	shalt  }
0x6e: {  	_ =	shalt  }
0x6f: {  	_ =	shalt  }
0x70: {  	_ =	shalt  }
0x71: {  	_ =	shalt  }
0x72: {  	_ =	shalt  }
0x73: {  	_ =	shalt  }
0x74: {  	_ =	shalt  }
0x75: {  	_ =	shalt  }
0x76: {  	_ =	shalt  }
0x77: {  	_ =	shalt  }
0x78: {  	_ =	shalt  }
0x79: {  	_ =	shalt  }
0x7a: {  	_ =	shalt  }
0x7b: {  	_ =	shalt  }
0x7c: {  	_ =	shalt  }
0x7d: {  	_ =	shalt  }
0x7e: {  	_ =	shalt  }
0x7f: {  	_ =	shalt  }
0x80: {  	_ =	shalt  }
0x81: {  	_ =	shalt  }
0x82: {  	_ =	shalt  }
0x83: {  	_ =	shalt  }
0x84: {  	_ =	shalt  }
0x85: {  	_ =	shalt  }
0x86: {  	_ =	shalt  }
0x87: {  	_ =	shalt  }
.Lfunc_end0:
.L_simem_size_0:
called_computation.1_lowered:
.L_overlay_start_0:
0x88: {  	s2 =	sld [smem:$0x3FD9]  }
0x89: {  	s3 =	sld [smem:$0x3FFE];
	_ =	sdelay $0x1  }
0x8a: {  	s1 =	srdreg.scid  }
0x8b: {  	s0 =	sand.u32 $0x1, s1  }
0x8c: {  	s17 =	sshll.u32 s0, $0xA;
	s2 =	sadd.s32 s3, s2  }
0x8d: {  	s2 =	sadd.s32 s2, s17  }
0x8e: {  	[smem:$0x3FC6] =	sst s2  }
0x8f: {  	_ = 	snop  }
0x90: {  	s2 =	sld [smem:$0x3FD0];
	(tm) =	ssettm $0x1  }
0x91: {  	s18 =	sld [smem:$0x3FFB];
	_ =	sdelay $0x3  }
0x92: {  	_ =	strace s18  }
0x93: {  	s3 =	sld [smem:$0x3FFC];
	_ =	sdelay $0x3  }
0x94: {  	_ =	strace s3  }
0x95: {  	s3 =	sld [smem:$0x3FFD];
	_ =	sdelay $0x3  }
0x96: {  	_ =	strace s3  }
0x97: {  	_ =	strace $0x8FFFFFFF  }
0x98: {  	s19 =	sld [smem:$0x3FDB];
	_ =	sdelay $0x1  }
0x99: {  	s4 =	simm.s32 $_scs_section_size  }
0x9a: {  	s5 =	simm.s32 $_size__tile_overlayer_lowered;
	s6 =	simm.s32 $_tile_overlayer_lowered  }
0x9b: {  	s22 =	simm.s32 $0x1BFF;
	s21 =	sshll.u32 s6, $0x1;
	s3 =	sadd.s32 s4, s19  }
0x9c: {  	s7 =	simm.s32 $0x0;
	s20 =	sshll.u32 s5, $0x1;
	s5 =	sadd.s32 s21, s3  }
0x9d: {  	[timem:s7], [sflag:s22] =	dma.local [hbm:s5], s20  }
0x9e: {  	_ =	swait.ge [sflag:s22], s20  }
0x9f: {  	s4 =	ssub.s32 $0x0, s20;
	[sflag:s22] =	ssyncset.done $0x0  }
0xa0: {  	[sflag:s22] =	ssyncadd.s32 s4;
	_ =	sdelay $0x1  }
0xa1: {  	s23 =	simm.s32 $0x1B8B  }
0xa2: {  	_ =	swait.ge [sflag:s23], $0x1  }
0xa3: {  	[sflag:s23] =	ssyncset.done $0x0  }
0xa4: {  	s25 =	simm.s32 $0x1B8E;
	s24 =	sld [smem:$0x3FFE];
	[sflag:s23] =	ssyncadd.s32 $0xFFFFFFFF  }
0xa5: {  	s26 =	simm.s32 $execute0_lowered;
	[smem:$0x3FD2] =	sst s25  }
0xa6: {  	s5 =	sshll.u32 s26, $0x1;
	_ =	strace $0x80000049;
	[dreg:$0x1] =	wrdreg $0xFFFFFFFF  }
0xa7: {  	s28 =	simm.s32 $_size_execute0_lowered;
	s3 =	sadd.s32 s3, s5;
	[dreg:$0x0] =	wrdreg $0x0  }
0xa8: {  	s5 =	sshll.u32 s28, $0x1;
	[dreg:$0x2] =	wrdreg s3  }
0xa9: {  	[dreg:$0x3] =	wrdreg s5  }
0xaa: {  	[dreg:$0x4] =	wrdreg $0xC0  }
0xab: {  	_ =	task [dreg:s7], $0x5FFFF  }
0xac: {  	[dreg:$0x1] =	wrdreg $0xFFFFFFFF  }
0xad: {  	[dreg:$0x0] =	wrdreg $0x60  }
0xae: {  	[dreg:$0x2] =	wrdreg s24  }
0xaf: {  	[dreg:$0x3] =	wrdreg s2  }
0xb0: {  	[dreg:$0x4] =	wrdreg $0x9  }
0xb1: {  	_ =	task.clear_ibuf [dreg:s7], $0x5FFFF;
	_ =	strace $0x90000049  }
0xb2: {  	s29 =	simm.s32 $0x9;
	_ =	strace $0x8000004B  }
0xb3: {  	_ =	swait.ge [sflag:s29], $0x1  }
0xb4: {  	[sflag:s29] =	ssyncadd.s32 $0xFFFFFFFF  }
0xb5: {  	_ =	strace $0x9000004B  }
0xb6: {  	_ =	sfence  }
0xb7: {  	s30 =	sld [smem:$0x0];
	_ =	sdelay $0x2  }
0xb8: {  	s31 =	sshll.u32 s1, $0xD;
	s1 =	sshrl.u32 s1, $0x2  }
0xb9: {  	s3 =	sand.u32 $0x4000, s31;
	s1 =	sadd.s32 s1, s30  }
0xba: {  	s0 =	sor.u32 s3, s0;
	s1 =	sshll.u32 s1, $0x11  }
0xbb: {  	s0 =	sor.u32 s1, s0  }
0xbc: {  	s0 =	sadd.s32 $0x8F2B, s0  }
0xbd: {  	[sflag:s0] =	ssyncadd.remote.s32 $0x1  }
0xbe: {  	_ =	sfence.sel $0xFFFF  }
0xbf: {  	[dreg:$0x0] =	wrdreg $0xFFFFFFFF;
	(pc) =	sbr.abs _section_cstart, $3  }
0xc0: {  	[dreg:$0x1] =	wrdreg $0xFFFFFFFF  }
0xc1: {  	_ =	task.clear_ibuf [dreg:s7], $0x2FFFF;
	_ =	strace $0x9FFFFFFF  }
0xc2: {  	(tm) =	ssettm $0x7FFFFFFF  }
0xc3: {  	_ =	shalt  }
tec
execute0_lowered:
.L_overlay_start_1:
0x0: {  	(tag) =	ssettag $0x1  }
0x1: {  	s0 =	rddreg [dreg:$0x0]  }
0x2: {  	s8 =	rddreg [dreg:$0x1];
	s3 =	simm.s32 $0x0;
	s1 =	srdreg.scid  }
0x3: {  	s2 =	stileid.u32;
	s15 =	simm.s32 $0x200;
	s18 =	simm.s32 $0x3  }
0x4: {  	s19 =	simm.s32 $0x2;
	s21 =	simm.s32 $0x4400;
	s24 =	simm.s32 $0x4  }
0x5: {  	s25 =	simm.s32 $0x6600;
	s29 =	simm.s32 $0x5;
	s30 =	simm.s32 $0x6  }
0x6: {  	[smem:$0x7FF] =	sst s3;
	s1 =	sand.u32 $0x1, s1;
	s5 =	sshll.u32 s2, $0x1  }
0x7: {  	s4 =	sadd.s32 $0xA00, s0;
	s11 =	sadd.s32 $0x4000, s8;
	s12 =	sadd.s32 $0x8000, s8  }
0x8: {  	s13 =	sadd.s32 $0xC000, s8;
	_ =	strace $0x8000004A;
	s6 =	sor.u32 s1, s5  }
0x9: {  	s5 =	sadd.s32 $0x1E9000, s0;
	s28 =	ssub.s32 $0x2, s1;
	s31 =	sshll.u32 s6, $0x6  }
0xa: {  	s7 =	sshrl.u32 s28, $0x1;
	s6 =	sshll.u32 s6, $0x9;
	s1 =	sadd.s32 s5, s31  }
0xb: {  	v1 =	vlaneseq.u32;
	s0 =	ssub.s32 s28, s7;
	[dreg:$0x3] =	wrdreg s1;
	s1 =	sadd.s32 $0x800, s1  }
0xc: {  	v0 =	vmul.u32 $0x11, v1;
	s9 =	sor.u32 $0x8000, s6;
	s0 =	smax.u32 s0, $0x1;
	[dreg:$0x4] =	wrdreg s1  }
0xd: {  	v1 =	vand.u32 $0x7, v1;
	s10 =	sor.u32 $0xC000, s6;
	[dreg:$0x5] =	wrdreg s0;
	s1 =	simm.s32 $0x0  }
.LBB2_1:
0xe: {  	[dreg:$0x6] =	wrdreg s1  }
0xf: {  	s0 =	rddreg [dreg:$0x3]  }
0x10: {  	[tilespmem:s3], [sflag:$0x1] =	stream.linear.gather [hbm4b:s0+s3], $0x200, $0x38;
	[tilespmem:$0xC800] =	vst v63  }
0x11: {  	s26 =	rddreg [dreg:$0x4];
	s28 =	simm.s32 $0x1  }
0x12: {  	[tilespmem:s15], [sflag:$0x2] =	stream.linear.gather [hbm4b:s26+s3], $0x200, $0x38;
	[tilespmem:$0xC800] =	vst v63  }
0x13: {  	_ =	swait.ge [sflag:s28], $0x200  }
0x14: {  	[sflag:s28] =	ssyncset.done $0x0  }
0x15: {  	s31 =	simm.s32 $0x400;
	s0 =	simm.s32 $0x0;
	[sflag:s28] =	ssyncadd.s32 $0xFFFFFE00  }
0x16: {  	[tilespmem:s31], [sflag:$0x3] =	stream.indirect.gather [hbm4b:s4+s15], $0x10, s3, s15, $0xb8;
	[tilespmem:$0xC800] =	vst v63  }
.LBB2_2:
0x17: {  	_ =	swait.ge [sflag:s18], $0x2000  }
0x18: {  	[sflag:s18] =	ssyncset.done $0x0  }
0x19: {  	[sflag:s18] =	ssyncadd.s32 $0xFFFFE000  }
0x1a: {  	p0 =	seq.s32 s0, $0x63;
	_ =	swait.ge [sflag:s19], $0x200  }
0x1b: {  	p1 =	seq.s32 @!p0 s0, $0x0;
	[sflag:s19] =	ssyncset.done $0x0  }
0x1c: {  	s1 =	simm.s32 $0x2400;
	p1 =	por p0, !p1;
	[sflag:s19] =	ssyncadd.s32 $0xFFFFFE00  }
0x1d: {  	[tilespmem:s1], [sflag:$0x4] =	stream.indirect.gather [hbm4b:s4+s15], $0x10, s15, s15, $0xb8;
	[tilespmem:$0xC800] =	vst v63  }
.Ltmp0:
0x1e: {  	s1 =	sshll.u32 @!p0 s0, $0xF;
	(pc) =	sbr.rel @!p1 .LBB2_3-.Ltmp0, $4  }
0x1f: {  	s7 =	sadd.s32 @!p0 s9, s1  }
0x20: {  	s7 =	sshrl.u32 @!p0 s7, $0x3  }
0x21: {  	s8 =	simm.s32 @!p0 $0x0;
	s7 =	sadd.s32 @!p0 s5, s7  }
0x22: {  	[tilespmem:s8], [sflag:$0x1] =	stream.linear.gather @!p0 [hbm4b:s7+s8], $0x200, $0x38;
	[tilespmem:$0xC800] =	vst v63  }
0x23: {  	_ =	swait.ge [sflag:s29], $0x1000  }
.Ltmp1:
0x24: {  	[sflag:s29] =	ssyncset.done $0x0;
	(pc) =	sbr.rel .LBB2_5-.Ltmp1, $4  }
0x25: {  	[sflag:s29] =	ssyncadd.s32 $0xFFFFF000  }
0x26: {  	_ =	swait.ge [sflag:s29], $0x1000  }
0x27: {  	[sflag:s29] =	ssyncset.done $0x0  }
0x28: {  	p1 =	por $0x0, $0x0;
	[sflag:s29] =	ssyncadd.s32 $0xFFFFF000  }
.LBB2_3:
0x29: {  	p1 =	por @!p0 $0x1, $0x1  }
.LBB2_5:
0x2a: {  	s16 =	simm.s32 $0x480  }
0x2b: {  	v2 =	vld [tilespmem:s16+$0x70]  }
0x2c: {  	v3 =	vld [tilespmem:s16+$0xFFFFFF90]  }
0x2d: {  	v4 =	vld [tilespmem:s16+$0xFFFFFFA0]  }
0x2e: {  	v5 =	vld [tilespmem:s16+$0xFFFFFFB0]  }
0x2f: {  	s7 =	simm.s32 $0x4488;
	v6 =	vld [tilespmem:s16+$0xFFFFFFC0]  }
0x30: {  	v7 =	vld [tilespmem:s16+$0xFFFFFFD0];
	[tilespmem:s7+$0x77] =	vst v2  }
0x31: {  	v8 =	vld [tilespmem:s16+$0x10];
	[tilespmem:s7+$0xFFFFFF89] =	vst v3  }
0x32: {  	v2 =	vld [tilespmem:s16+$0xFFFFFFE0];
	[tilespmem:s7+$0xFFFFFF9A] =	vst v4  }
0x33: {  	v3 =	vld [tilespmem:s16+$0xFFFFFFF0];
	[tilespmem:s7+$0xFFFFFFAB] =	vst v5  }
0x34: {  	v4 =	vld [tilespmem:s16+$0x0];
	[tilespmem:s7+$0xFFFFFFBC] =	vst v6  }
0x35: {  	[tilespmem:s7+$0xFFFFFFCD] =	vst v7;
	v7 =	vld [tilespmem:s16+$0x20]  }
0x36: {  	v6 =	vld [tilespmem:s16+$0x30];
	[tilespmem:s7+$0x11] =	vst v8  }
0x37: {  	v5 =	vld [tilespmem:s16+$0x40];
	[tilespmem:s7+$0xFFFFFFDE] =	vst v2  }
0x38: {  	[tilespmem:s7+$0xFFFFFFEF] =	vst v3;
	v3 =	vld [tilespmem:s16+$0x50]  }
0x39: {  	s17 =	sshll.u32 s0, $0x10;
	[tilespmem:s7+$0x0] =	vst v4;
	v4 =	vld [tilespmem:s16+$0x60]  }
0x3a: {  	s14 =	simm.s32 $0x0;
	s8 =	simm.s32 $0xF;
	s31 =	simm.s32 $0x580;
	v2 =	vld [tilespmem:s16+$0xFFFFFF80];
	[tilespmem:s7+$0x22] =	vst v7  }
.LBB2_6:
0x3b: {  	v7 =	vld [tilespmem:s31+$0x70];
	s14 =	sadd.s32 $0x10, s14;
	[tilespmem:s7+$0x33] =	vst v6  }
0x3c: {  	v6 =	vld [tilespmem:s31+$0xFFFFFF90];
	p2 =	slt.u32 s14, $0x1F0;
	[tilespmem:s7+$0x44] =	vst v5  }
0x3d: {  	v5 =	vld [tilespmem:s31+$0xFFFFFFA0];
	[tilespmem:s7+$0x55] =	vst v3  }
0x3e: {  	v3 =	vld [tilespmem:s31+$0xFFFFFFB0];
	[tilespmem:s7+$0x66] =	vst v4  }
0x3f: {  	v4 =	vld [tilespmem:s31+$0xFFFFFFC0];
	[tilespmem:s7+$0xFFFFFF78] =	vst v2;
	s7 =	sadd.s32 $0x110, s7  }
0x40: {  	s16 =	simm.s32 $0x0;
	v2 =	vld [tilespmem:s31+$0xFFFFFFD0];
	[tilespmem:s7+$0x77] =	vst v7  }
0x41: {  	[tilespmem:s7+$0xFFFFFF89] =	vst v6;
	v6 =	vld [tilespmem:s31+$0xFFFFFFE0]  }
0x42: {  	[tilespmem:s7+$0xFFFFFF9A] =	vst v5;
	v5 =	vld [tilespmem:s31+$0xFFFFFFF0]  }
0x43: {  	[tilespmem:s7+$0xFFFFFFAB] =	vst v3;
	v3 =	vld [tilespmem:s31+$0x0]  }
0x44: {  	[tilespmem:s7+$0xFFFFFFBC] =	vst v4;
	v4 =	vld [tilespmem:s31+$0x10]  }
0x45: {  	[tilespmem:s7+$0xFFFFFFCD] =	vst v2;
	v7 =	vld [tilespmem:s31+$0x20]  }
.Ltmp2:
0x46: {  	[tilespmem:s7+$0xFFFFFFDE] =	vst v6;
	v6 =	vld [tilespmem:s31+$0x30];
	(pc) =	sbr.rel @p2 .LBB2_6-.Ltmp2, $4  }
0x47: {  	[tilespmem:s7+$0xFFFFFFEF] =	vst v5;
	v5 =	vld [tilespmem:s31+$0x40]  }
0x48: {  	[tilespmem:s7+$0x0] =	vst v3;
	v3 =	vld [tilespmem:s31+$0x50]  }
0x49: {  	[tilespmem:s7+$0x11] =	vst v4;
	v4 =	vld [tilespmem:s31+$0x60]  }
0x4a: {  	v2 =	vld [tilespmem:s31+$0xFFFFFF80];
	[tilespmem:s7+$0x22] =	vst v7;
	s31 =	sadd.s32 $0x100, s31  }
0x4b: {  	[tilespmem:s7+$0x33] =	vst v6;
	s14 =	simm.s32 $0x1;
	v6 =	vadd.s32 s8, v0  }
0x4c: {  	s20 =	simm.s32 $0xB;
	[tilespmem:s7+$0x44] =	vst v5;
	v5 =	vadd.s32 s14, v0  }
0x4d: {  	s26 =	simm.s32 $0x5;
	v7 =	vadd.s32 s20, v0;
	[tilespmem:s7+$0x55] =	vst v3  }
0x4e: {  	s28 =	simm.s32 $0xD;
	v3 =	vadd.s32 s26, v0;
	[tilespmem:s7+$0x66] =	vst v4  }
0x4f: {  	s2 =	simm.s32 $0x6;
	v4 =	vadd.s32 s28, v0;
	[tilespmem:s7+$0xFFFFFF78] =	vst v2  }
0x50: {  	s22 =	simm.s32 $0x7;
	v2 =	vadd.s32 s2, v0;
	v6 =	vld.idx.msk [tilespmem:v6+s21+$0x0], $0xffff  }
0x51: {  	v8 =	vadd.s32 s22, v0;
	s26 =	simm.s32 $0x2;
	v5 =	vld.idx.msk [tilespmem:v5+s21+$0x0], $0xffff  }
0x52: {  	v11 =	vadd.s32 s26, v0;
	s2 =	simm.s32 $0xC;
	v12 =	vld.idx.msk [tilespmem:v7+s21+$0x0], $0xffff  }
0x53: {  	s23 =	simm.s32 $0x9;
	s14 =	simm.s32 $0x0;
	v15 =	vadd.s32 s2, v0;
	v3 =	vld.idx.msk [tilespmem:v3+s21+$0x0], $0xffff  }
0x54: {  	v10 =	vadd.s32 s23, v0;
	s20 =	sand.u32 $0xC00, s16;
	s31 =	sand.u32 $0x70, s14;
	s28 =	simm.s32 $0xA;
	v4 =	vld.idx.msk [tilespmem:v4+s21+$0x0], $0xffff  }
0x55: {  	s22 =	simm.s32 $0x0;
	s8 =	sor.u32 s31, s20;
	v13 =	vadd.s32 s28, v0;
	v14 =	vld.idx.msk [tilespmem:v2+s21+$0x0], $0xffff  }
0x56: {  	s31 =	simm.s32 $0x3;
	v9 =	vld.idx.msk [tilespmem:v8+s21+$0x0], $0xffff;
	v2 =	vadd.s32 s22, v0;
	[tilespmem:s8+$0x9B80] =	vst v6  }
0x57: {  	s23 =	simm.s32 $0x8;
	v7 =	vadd.s32 s31, v0;
	v11 =	vld.idx.msk [tilespmem:v11+s21+$0x0], $0xffff;
	v2 =	vand.u32 $0x7FF8, v2;
	[tilespmem:s8+$0x8880] =	vst v5  }
0x58: {  	s26 =	simm.s32 $0x4;
	v6 =	vadd.s32 s23, v0;
	v8 =	vld.idx.msk [tilespmem:v15+s21+$0x0], $0xffff;
	[tilespmem:s8+$0x8A80] =	vst v3;
	v3 =	vor.u32 v1, v2  }
0x59: {  	s28 =	sor.u32 s16, s14;
	s2 =	simm.s32 $0xE;
	v5 =	vld.idx.msk [tilespmem:v10+s21+$0x0], $0xffff;
	v2 =	vand.u32 $0x7FFFFFF8, v6;
	v6 =	vadd.s32 s26, v0;
	[tilespmem:s8+$0x9A80] =	vst v4  }
0x5a: {  	s7 =	simm.s32 $0x80;
	s16 =	simm.s32 $0x11F;
	s31 =	sor.u32 $0x380, s28;
	v10 =	vld.idx.msk [tilespmem:v13+s21+$0x0], $0xffff;
	v2 =	vor.u32 v1, v2;
	v4 =	vadd.s32 s2, v0;
	[tilespmem:s8+$0x8B00] =	vst v14  }
.LBB2_8:
0x5b: {  	s2 =	sadd.s32 $0xFFFFFFF1, s16  }
0x5c: {  	s20 =	sadd.s32 $0xFFFFFFF2, s16;
	s22 =	sadd.s32 $0xFFFFFFF6, s16;
	v13 =	vadd.s32 s16, v0;
	v14 =	vld.idx.msk [tilespmem:v7+s21+$0x0], $0xffff;
	[tilespmem:s8+$0x9980] =	vst v12;
	s23 =	sadd.s32 $0xFFFFFFF5, s16  }
0x5d: {  	v7 =	vadd.s32 s2, v0;
	v12 =	vadd.s32 s20, v0;
	s2 =	sadd.s32 $0xFFFFFFF3, s16;
	v15 =	vadd.s32 s22, v0;
	s20 =	sadd.s32 $0xFFFFFFF9, s16;
	s22 =	sadd.s32 $0xFFFFFFFC, s16;
	v16 =	vld.idx.msk [tilespmem:v3+s21+$0x0], $0xffff  }
0x5e: {  	s26 =	sadd.s32 $0xFFFFFFF8, s16;
	s28 =	sadd.s32 $0xFFFFFFFB, s16;
	v3 =	vand.u32 $0x7FF8, v7;
	v17 =	vadd.s32 s2, v0;
	s2 =	sadd.s32 $0xFFFFFFF4, s16;
	v18 =	vadd.s32 s22, v0;
	v19 =	vld.idx.msk [tilespmem:v6+s21+$0x0], $0xffff;
	[tilespmem:s31+$0x8800] =	vst v9  }
0x5f: {  	v9 =	vadd.s32 s26, v0;
	v6 =	vadd.s32 s20, v0;
	s20 =	sadd.s32 $0xFFFFFFFD, s16;
	s22 =	sadd.s32 $0xFFFFFFFE, s16;
	s26 =	sadd.s32 $0xFFFFFFFF, s16;
	v3 =	vor.u32 v1, v3;
	[tilespmem:s8+$0x8900] =	vst v11;
	v11 =	vld.idx.msk [tilespmem:v4+s21+$0x0], $0xffff  }
0x60: {  	s31 =	sadd.s32 $0xFFFFFFFA, s16;
	v7 =	vadd.s32 s2, v0;
	s2 =	sadd.s32 $0xFFFFFFF7, s16;
	v4 =	vand.u32 $0x7FFFFFF8, v6;
	v20 =	vadd.s32 s22, v0;
	v21 =	vld.idx.msk [tilespmem:v2+s21+$0x0], $0xffff;
	[tilespmem:s8+$0x9900] =	vst v10  }
0x61: {  	s14 =	sadd.s32 $0x10, s14;
	v10 =	vadd.s32 s2, v0;
	v2 =	vor.u32 v1, v4;
	v4 =	vadd.s32 s26, v0;
	v13 =	vld.idx.msk [tilespmem:v13+s21+$0x0], $0xffff;
	[tilespmem:s8+$0x9880] =	vst v5  }
0x62: {  	v22 =	vadd.s32 s28, v0;
	p2 =	slt.u32 s14, $0x1F0;
	v6 =	vadd.s32 s23, v0;
	s22 =	sor.u32 s7, s14;
	v23 =	vadd.s32 s20, v0;
	s2 =	sand.u32 $0x70, s14;
	[tilespmem:s8+$0x8980] =	vst v14  }
0x63: {  	v5 =	vld.idx.msk [tilespmem:v12+s21+$0x0], $0xffff;
	[tilespmem:s8+$0x9A00] =	vst v8  }
0x64: {  	v14 =	vadd.s32 s31, v0;
	v8 =	vld.idx.msk [tilespmem:v15+s21+$0x0], $0xffff;
	[tilespmem:s8+$0x8800] =	vst v16  }
0x65: {  	v15 =	vld.idx.msk [tilespmem:v20+s21+$0x0], $0xffff;
	[tilespmem:s8+$0x9B00] =	vst v11  }
0x66: {  	s20 =	sand.u32 $0xC00, s7;
	v16 =	vld.idx.msk [tilespmem:v10+s21+$0x0], $0xffff;
	[tilespmem:s8+$0x9800] =	vst v21  }
0x67: {  	v12 =	vld.idx.msk [tilespmem:v18+s21+$0x0], $0xffff;
	[tilespmem:s8+$0x8A00] =	vst v19;
	s8 =	sor.u32 s2, s20  }
.Ltmp3:
0x68: {  	v9 =	vld.idx.msk [tilespmem:v9+s21+$0x0], $0xffff;
	[tilespmem:s8+$0x9B80] =	vst v13;
	(pc) =	sbr.rel @p2 .LBB2_8-.Ltmp3, $4  }
0x69: {  	[tilespmem:s8+$0x8880] =	vst v5;
	v5 =	vld.idx.msk [tilespmem:v14+s21+$0x0], $0xffff  }
0x6a: {  	v11 =	vld.idx.msk [tilespmem:v17+s21+$0x0], $0xffff;
	[tilespmem:s8+$0x8A80] =	vst v8  }
0x6b: {  	v10 =	vld.idx.msk [tilespmem:v22+s21+$0x0], $0xffff;
	[tilespmem:s8+$0x9A80] =	vst v15  }
0x6c: {  	s7 =	sadd.s32 $0x80, s7;
	s16 =	sadd.s32 $0x110, s16;
	s31 =	sor.u32 $0x380, s22;
	[tilespmem:s8+$0x8B00] =	vst v16;
	v8 =	vld.idx.msk [tilespmem:v23+s21+$0x0], $0xffff  }
0x6d: {  	_ =	sdelay $0x2  }
0x6e: {  	[tilespmem:s8+$0x9980] =	vst v12  }
0x6f: {  	v7 =	vld.idx.msk [tilespmem:v7+s21+$0x0], $0xffff;
	[tilespmem:s31+$0x8800] =	vst v9  }
0x70: {  	v3 =	vld.idx.msk [tilespmem:v3+s21+$0x0], $0xffff;
	[tilespmem:s8+$0x9880] =	vst v5  }
0x71: {  	v4 =	vld.idx.msk [tilespmem:v4+s21+$0x0], $0xffff;
	[tilespmem:s8+$0x8900] =	vst v11  }
0x72: {  	v2 =	vld.idx.msk [tilespmem:v2+s21+$0x0], $0xffff;
	[tilespmem:s8+$0x9900] =	vst v10  }
0x73: {  	v5 =	vld.idx.msk [tilespmem:v6+s21+$0x0], $0xffff;
	[tilespmem:s8+$0x9A00] =	vst v8  }
0x74: {  	[tilespmem:s8+$0x8980] =	vst v7  }
0x75: {  	[tilespmem:s8+$0x8800] =	vst v3  }
0x76: {  	[tilespmem:s8+$0x9B00] =	vst v4  }
0x77: {  	s17 =	sor.u32 s6, s17;
	s2 =	rddreg [dreg:$0x1];
	[tilespmem:s8+$0x9800] =	vst v2  }
0x78: {  	s7 =	simm.s32 $0x8800;
	s2 =	sadd.s32 s2, s17;
	[tilespmem:s8+$0x8A00] =	vst v5  }
0x79: {  	[hbm4b:s2+s3] =	stream.linear.scatter [tilespmem:s7], [sflag:$0x5], $0x1000, $0x38;
	[tilespmem:$0xC800] =	vst v63  }
0x7a: {  	s28 =	simm.s32 $0x9800;
	s26 =	sadd.s32 s17, s11  }
0x7b: {  	[hbm4b:s26+s3] =	stream.linear.scatter [tilespmem:s28], [sflag:$0x5], $0x1000, $0x38;
	[tilespmem:$0xC800] =	vst v63  }
0x7c: {  	_ =	swait.ge [sflag:s24], $0x2000  }
0x7d: {  	[sflag:s24] =	ssyncset.done $0x0  }
0x7e: {  	s2 =	simm.s32 @!p0 $0x1;
	[sflag:s24] =	ssyncadd.s32 $0xFFFFE000  }
0x7f: {  	s1 =	sadd.s32 @!p0 s10, s1;
	_ =	swait.ge @!p0 [sflag:s2], $0x200  }
0x80: {  	s1 =	sshrl.u32 @!p0 s1, $0x3;
	s8 =	simm.s32 @!p0 $0x400;
	[sflag:s2] =	ssyncset.done @!p0 $0x0  }
0x81: {  	s7 =	simm.s32 @!p0 $0x0;
	[sflag:s2] =	ssyncadd.s32 @!p0 $0xFFFFFE00;
	s2 =	simm.s32 @!p0 $0x200  }
0x82: {  	[tilespmem:s8], [sflag:$0x3] =	stream.indirect.gather @!p0 [hbm4b:s4+s2], $0x10, s7, s2, $0xb8;
	[tilespmem:$0xC800] =	vst v63  }
0x83: {  	s1 =	sadd.s32 @!p0 s5, s1  }
0x84: {  	[tilespmem:s2], [sflag:$0x2] =	stream.linear.gather @!p0 [hbm4b:s1+s7], $0x200, $0x38;
	[tilespmem:$0xC800] =	vst v63  }
0x85: {  	p0 =	por p0, !p1  }
0x86: {  	_ =	swait.ge @p0 [sflag:s30], $0x1000  }
0x87: {  	[sflag:s30] =	ssyncset.done @p0 $0x0  }
0x88: {  	[sflag:s30] =	ssyncadd.s32 @p0 $0xFFFFF000  }
0x89: {  	_ =	swait.ge @p0 [sflag:s30], $0x1000  }
0x8a: {  	[sflag:s30] =	ssyncset.done @p0 $0x0  }
0x8b: {  	s31 =	simm.s32 $0x24F0;
	[sflag:s30] =	ssyncadd.s32 @p0 $0xFFFFF000  }
0x8c: {  	v2 =	vld [tilespmem:s31+$0x0]  }
0x8d: {  	v3 =	vld [tilespmem:s31+$0xFFFFFF20]  }
0x8e: {  	v4 =	vld [tilespmem:s31+$0xFFFFFF30]  }
0x8f: {  	v5 =	vld [tilespmem:s31+$0xFFFFFF40]  }
0x90: {  	s1 =	simm.s32 $0x6600;
	v6 =	vld [tilespmem:s31+$0xFFFFFF50]  }
0x91: {  	v7 =	vld [tilespmem:s31+$0xFFFFFF60];
	[tilespmem:s1+$0xFF] =	vst v2  }
0x92: {  	v8 =	vld [tilespmem:s31+$0xFFFFFFA0];
	[tilespmem:s1+$0x11] =	vst v3  }
0x93: {  	v2 =	vld [tilespmem:s31+$0xFFFFFF70];
	[tilespmem:s1+$0x22] =	vst v4  }
0x94: {  	[tilespmem:s1+$0x33] =	vst v5;
	v4 =	vld [tilespmem:s31+$0xFFFFFF90]  }
0x95: {  	v3 =	vld [tilespmem:s31+$0xFFFFFF80];
	[tilespmem:s1+$0x44] =	vst v6  }
0x96: {  	[tilespmem:s1+$0x55] =	vst v7;
	v7 =	vld [tilespmem:s31+$0xFFFFFFB0]  }
0x97: {  	v6 =	vld [tilespmem:s31+$0xFFFFFFC0];
	[tilespmem:s1+$0x99] =	vst v8  }
0x98: {  	v5 =	vld [tilespmem:s31+$0xFFFFFFD0];
	[tilespmem:s1+$0x66] =	vst v2  }
0x99: {  	[tilespmem:s1+$0x88] =	vst v4;
	v4 =	vld [tilespmem:s31+$0xFFFFFFE0]  }
0x9a: {  	[tilespmem:s1+$0x77] =	vst v3;
	v3 =	vld [tilespmem:s31+$0xFFFFFFF0]  }
0x9b: {  	s14 =	simm.s32 $0x25F0;
	s8 =	simm.s32 $0x0;
	v2 =	vld [tilespmem:s31+$0xFFFFFF10];
	[tilespmem:s1+$0xAA] =	vst v7  }
.LBB2_10:
0x9c: {  	v7 =	vld [tilespmem:s14+$0x0];
	s8 =	sadd.s32 $0x10, s8;
	[tilespmem:s1+$0xBB] =	vst v6  }
0x9d: {  	v6 =	vld [tilespmem:s14+$0xFFFFFF20];
	p0 =	slt.u32 s8, $0x1F0;
	[tilespmem:s1+$0xCC] =	vst v5  }
0x9e: {  	v5 =	vld [tilespmem:s14+$0xFFFFFF30];
	[tilespmem:s1+$0xDD] =	vst v4  }
0x9f: {  	v4 =	vld [tilespmem:s14+$0xFFFFFF40];
	[tilespmem:s1+$0xEE] =	vst v3  }
0xa0: {  	v3 =	vld [tilespmem:s14+$0xFFFFFF50];
	[tilespmem:s1+$0x0] =	vst v2;
	s1 =	sadd.s32 $0x110, s1  }
0xa1: {  	s7 =	simm.s32 $0x0;
	s16 =	simm.s32 $0xF;
	v2 =	vld [tilespmem:s14+$0xFFFFFF60];
	[tilespmem:s1+$0xFF] =	vst v7  }
0xa2: {  	[tilespmem:s1+$0x11] =	vst v6;
	v6 =	vld [tilespmem:s14+$0xFFFFFF70]  }
0xa3: {  	[tilespmem:s1+$0x22] =	vst v5;
	v5 =	vld [tilespmem:s14+$0xFFFFFF80]  }
0xa4: {  	[tilespmem:s1+$0x33] =	vst v4;
	v4 =	vld [tilespmem:s14+$0xFFFFFF90]  }
0xa5: {  	[tilespmem:s1+$0x44] =	vst v3;
	v3 =	vld [tilespmem:s14+$0xFFFFFFA0]  }
0xa6: {  	[tilespmem:s1+$0x55] =	vst v2;
	v7 =	vld [tilespmem:s14+$0xFFFFFFB0]  }
.Ltmp4:
0xa7: {  	[tilespmem:s1+$0x66] =	vst v6;
	v6 =	vld [tilespmem:s14+$0xFFFFFFC0];
	(pc) =	sbr.rel @p0 .LBB2_10-.Ltmp4, $4  }
0xa8: {  	[tilespmem:s1+$0x77] =	vst v5;
	v5 =	vld [tilespmem:s14+$0xFFFFFFD0]  }
0xa9: {  	[tilespmem:s1+$0x88] =	vst v4;
	v4 =	vld [tilespmem:s14+$0xFFFFFFE0]  }
0xaa: {  	[tilespmem:s1+$0x99] =	vst v3;
	v3 =	vld [tilespmem:s14+$0xFFFFFFF0]  }
0xab: {  	v2 =	vld [tilespmem:s14+$0xFFFFFF10];
	[tilespmem:s1+$0xAA] =	vst v7;
	s14 =	sadd.s32 $0x100, s14  }
0xac: {  	[tilespmem:s1+$0xBB] =	vst v6;
	s2 =	simm.s32 $0x5;
	v6 =	vadd.s32 s16, v0  }
0xad: {  	s31 =	simm.s32 $0x4;
	[tilespmem:s1+$0xCC] =	vst v5;
	v5 =	vadd.s32 s2, v0  }
0xae: {  	s26 =	simm.s32 $0xB;
	v7 =	vadd.s32 s31, v0;
	[tilespmem:s1+$0xDD] =	vst v4  }
0xaf: {  	s28 =	simm.s32 $0xD;
	v4 =	vadd.s32 s26, v0;
	[tilespmem:s1+$0xEE] =	vst v3  }
0xb0: {  	s8 =	simm.s32 $0xC;
	v3 =	vadd.s32 s28, v0;
	[tilespmem:s1+$0x0] =	vst v2  }
0xb1: {  	s2 =	simm.s32 $0x9;
	v2 =	vadd.s32 s8, v0;
	v6 =	vld.idx.msk [tilespmem:v6+s25+$0x0], $0xffff  }
0xb2: {  	s14 =	simm.s32 $0x6;
	v8 =	vadd.s32 s2, v0;
	v5 =	vld.idx.msk [tilespmem:v5+s25+$0x0], $0xffff  }
0xb3: {  	v11 =	vadd.s32 s14, v0;
	s8 =	simm.s32 $0xA;
	v14 =	vld.idx.msk [tilespmem:v7+s25+$0x0], $0xffff  }
0xb4: {  	s16 =	simm.s32 $0xE;
	v9 =	vadd.s32 s8, v0;
	s8 =	simm.s32 $0x0;
	v4 =	vld.idx.msk [tilespmem:v4+s25+$0x0], $0xffff  }
0xb5: {  	s20 =	simm.s32 $0x3;
	s7 =	sand.u32 $0xC00, s7;
	v12 =	vadd.s32 s16, v0;
	s22 =	sand.u32 $0x70, s8;
	v3 =	vld.idx.msk [tilespmem:v3+s25+$0x0], $0xffff  }
0xb6: {  	s14 =	simm.s32 $0x2;
	v13 =	vadd.s32 s20, v0;
	s1 =	sor.u32 s22, s7;
	v2 =	vld.idx.msk [tilespmem:v2+s25+$0x0], $0xffff  }
0xb7: {  	s23 =	simm.s32 $0x0;
	v15 =	vadd.s32 s14, v0;
	s28 =	simm.s32 $0x1;
	v10 =	vld.idx.msk [tilespmem:v8+s25+$0x0], $0xffff;
	[tilespmem:s1+$0xBB80] =	vst v6  }
0xb8: {  	s26 =	simm.s32 $0x8;
	v8 =	vld.idx.msk [tilespmem:v11+s25+$0x0], $0xffff;
	v11 =	vadd.s32 s28, v0;
	[tilespmem:s1+$0xAA80] =	vst v5;
	v5 =	vadd.s32 s23, v0  }
0xb9: {  	v9 =	vld.idx.msk [tilespmem:v9+s25+$0x0], $0xffff;
	[tilespmem:s1+$0xB980] =	vst v4;
	v4 =	vadd.s32 s26, v0;
	v5 =	vand.u32 $0x7FF8, v5  }
0xba: {  	s31 =	simm.s32 $0x7;
	v7 =	vld.idx.msk [tilespmem:v12+s25+$0x0], $0xffff;
	[tilespmem:s1+$0xBA80] =	vst v3;
	v4 =	vand.u32 $0x7FFFFFF8, v4;
	v3 =	vor.u32 v1, v5  }
0xbb: {  	v6 =	vld.idx.msk [tilespmem:v13+s25+$0x0], $0xffff;
	[tilespmem:s1+$0xBA00] =	vst v2;
	v2 =	vor.u32 v1, v4;
	v4 =	vadd.s32 s31, v0  }
0xbc: {  	s14 =	simm.s32 $0x11F;
	s7 =	simm.s32 $0x80;
	[tilespmem:s1+$0xAA00] =	vst v14;
	v5 =	vld.idx.msk [tilespmem:v15+s25+$0x0], $0xffff  }
.LBB2_12:
0xbd: {  	s2 =	sadd.s32 $0xFFFFFFF1, s14;
	s20 =	sadd.s32 $0xFFFFFFF6, s14;
	s22 =	sadd.s32 $0xFFFFFFF9, s14;
	v12 =	vadd.s32 s14, v0;
	v11 =	vld.idx.msk [tilespmem:v11+s25+$0x0], $0xffff;
	[tilespmem:s1+$0xB880] =	vst v10  }
0xbe: {  	s16 =	sadd.s32 $0xFFFFFFF2, s14;
	v10 =	vadd.s32 s2, v0;
	s2 =	sadd.s32 $0xFFFFFFF3, s14;
	v13 =	vadd.s32 s20, v0;
	v14 =	vadd.s32 s22, v0;
	s20 =	sadd.s32 $0xFFFFFFFC, s14;
	[tilespmem:s1+$0xB900] =	vst v9  }
0xbf: {  	s23 =	sadd.s32 $0xFFFFFFFF, s14;
	s22 =	sadd.s32 $0xFFFFFFF4, s14;
	v9 =	vand.u32 $0x7FF8, v10;
	v10 =	vand.u32 $0x7FFFFFF8, v14;
	v14 =	vadd.s32 s20, v0;
	s20 =	sadd.s32 $0xFFFFFFFE, s14;
	v15 =	vld.idx.msk [tilespmem:v3+s25+$0x0], $0xffff;
	[tilespmem:s1+$0xAB00] =	vst v8  }
0xc0: {  	s26 =	sadd.s32 $0xFFFFFFF7, s14;
	s28 =	sadd.s32 $0xFFFFFFFD, s14;
	v16 =	vadd.s32 s2, v0;
	s2 =	sadd.s32 $0xFFFFFFF5, s14;
	v3 =	vor.u32 v1, v9;
	v8 =	vadd.s32 s20, v0;
	v9 =	vld.idx.msk [tilespmem:v4+s25+$0x0], $0xffff;
	[tilespmem:s1+$0xBB00] =	vst v7  }
0xc1: {  	s31 =	sadd.s32 $0xFFFFFFFB, s14;
	v17 =	vadd.s32 s28, v0;
	v7 =	vadd.s32 s2, v0;
	s2 =	sadd.s32 $0xFFFFFFF8, s14;
	s20 =	sadd.s32 $0xFFFFFFFA, s14;
	[tilespmem:s1+$0xA980] =	vst v6;
	v6 =	vld.idx.msk [tilespmem:v2+s25+$0x0], $0xffff;
	v2 =	vor.u32 v1, v10  }
0xc2: {  	s8 =	sadd.s32 $0x10, s8;
	v18 =	vadd.s32 s26, v0;
	v19 =	vadd.s32 s23, v0;
	v12 =	vld.idx.msk [tilespmem:v12+s25+$0x0], $0xffff;
	[tilespmem:s1+$0xA900] =	vst v5  }
0xc3: {  	s23 =	sand.u32 $0x70, s8;
	v20 =	vadd.s32 s31, v0;
	p0 =	slt.u32 s8, $0x1F0;
	v10 =	vadd.s32 s20, v0;
	v5 =	vadd.s32 s22, v0;
	v13 =	vld.idx.msk [tilespmem:v13+s25+$0x0], $0xffff  }
0xc4: {  	v4 =	vadd.s32 s2, v0;
	v14 =	vld.idx.msk [tilespmem:v14+s25+$0x0], $0xffff;
	[tilespmem:s1+$0xA880] =	vst v11  }
0xc5: {  	v21 =	vld.idx.msk [tilespmem:v8+s25+$0x0], $0xffff;
	[tilespmem:s1+$0xA800] =	vst v15  }
0xc6: {  	s2 =	sand.u32 $0xC00, s7;
	v15 =	vld.idx.msk [tilespmem:v17+s25+$0x0], $0xffff;
	[tilespmem:s1+$0xAB80] =	vst v9  }
0xc7: {  	v17 =	vld.idx.msk [tilespmem:v7+s25+$0x0], $0xffff;
	[tilespmem:s1+$0xB800] =	vst v6;
	s1 =	sor.u32 s23, s2  }
0xc8: {  	v10 =	vld.idx.msk [tilespmem:v10+s25+$0x0], $0xffff;
	[tilespmem:s1+$0xBB80] =	vst v12  }
.Ltmp5:
0xc9: {  	v11 =	vadd.s32 s16, v0;
	[tilespmem:s1+$0xAA80] =	vst v13;
	v9 =	vld.idx.msk [tilespmem:v20+s25+$0x0], $0xffff;
	(pc) =	sbr.rel @p0 .LBB2_12-.Ltmp5, $4  }
0xca: {  	v8 =	vld.idx.msk [tilespmem:v18+s25+$0x0], $0xffff;
	[tilespmem:s1+$0xB980] =	vst v14  }
0xcb: {  	[tilespmem:s1+$0xBA80] =	vst v21;
	v7 =	vld.idx.msk [tilespmem:v19+s25+$0x0], $0xffff  }
0xcc: {  	v6 =	vld.idx.msk [tilespmem:v5+s25+$0x0], $0xffff;
	[tilespmem:s1+$0xBA00] =	vst v15  }
0xcd: {  	s14 =	sadd.s32 $0x110, s14;
	s7 =	sadd.s32 $0x80, s7;
	v5 =	vld.idx.msk [tilespmem:v16+s25+$0x0], $0xffff;
	[tilespmem:s1+$0xAA00] =	vst v17  }
0xce: {  	_ =	sdelay $0x2  }
0xcf: {  	[tilespmem:s1+$0xB880] =	vst v10  }
0xd0: {  	v63 =	vld.idx.msk [tilespmem:v11+s25+$0x0], $0xffff;
	[tilespmem:s1+$0xB900] =	vst v9  }
0xd1: {  	v3 =	vld.idx.msk [tilespmem:v3+s25+$0x0], $0xffff;
	[tilespmem:s1+$0xAB00] =	vst v8  }
0xd2: {  	v4 =	vld.idx.msk [tilespmem:v4+s25+$0x0], $0xffff;
	[tilespmem:s1+$0xBB00] =	vst v7  }
0xd3: {  	v2 =	vld.idx.msk [tilespmem:v2+s25+$0x0], $0xffff;
	[tilespmem:s1+$0xA980] =	vst v6  }
0xd4: {  	[tilespmem:s1+$0xA900] =	vst v5  }
0xd5: {  	s0 =	sadd.s32 $0x1, s0;
	[tilespmem:s1+$0xA880] =	vst v63  }
0xd6: {  	p0 =	sne.s32 s0, $0x64;
	[tilespmem:s1+$0xA800] =	vst v3  }
.Ltmp6:
0xd7: {  	[tilespmem:s1+$0xAB80] =	vst v4;
	(pc) =	sbr.rel @p0 .LBB2_2-.Ltmp6, $4  }
0xd8: {  	s26 =	sadd.s32 s17, s12;
	s2 =	simm.s32 $0xA800;
	[tilespmem:s1+$0xB800] =	vst v2  }
0xd9: {  	[hbm4b:s26+s3] =	stream.linear.scatter [tilespmem:s2], [sflag:$0x6], $0x1000, $0x38;
	[tilespmem:$0xC800] =	vst v63  }
0xda: {  	s28 =	sadd.s32 s17, s13;
	s31 =	simm.s32 $0xB800  }
0xdb: {  	[hbm4b:s28+s3] =	stream.linear.scatter [tilespmem:s31], [sflag:$0x6], $0x1000, $0x38;
	[tilespmem:$0xC800] =	vst v63  }
0xdc: {  	_ =	swait.ge [sflag:s29], $0x1000  }
0xdd: {  	[sflag:s29] =	ssyncset.done $0x0  }
0xde: {  	[sflag:s29] =	ssyncadd.s32 $0xFFFFF000  }
0xdf: {  	_ =	swait.ge [sflag:s29], $0x1000  }
0xe0: {  	[sflag:s29] =	ssyncset.done $0x0  }
0xe1: {  	[sflag:s29] =	ssyncadd.s32 $0xFFFFF000  }
0xe2: {  	_ =	swait.ge [sflag:s30], $0x1000  }
0xe3: {  	[sflag:s30] =	ssyncset.done $0x0  }
0xe4: {  	[sflag:s30] =	ssyncadd.s32 $0xFFFFF000  }
0xe5: {  	_ =	swait.ge [sflag:s30], $0x1000  }
0xe6: {  	s1 =	rddreg [dreg:$0x6]  }
0xe7: {  	s0 =	rddreg [dreg:$0x5];
	s1 =	sadd.s32 $0x1, s1  }
0xe8: {  	p0 =	sne.s32 s1, s0  }
.Ltmp7:
0xe9: {  	_ = 	snop;
	(pc) =	sbr.rel @p0 .LBB2_1-.Ltmp7, $3  }
0xea: {  	_ =	sdelay $0x1  }
0xeb: {  	[sflag:s30] =	ssyncset.done $0x0  }
0xec: {  	[sflag:s30] =	ssyncadd.s32 $0xFFFFF000  }
0xed: {  	_ =	sfence.sel $0x180000  }
0xee: {  	[bflag:$0x0] =	sbarrier.arrive $0xFFFF  }
0xef: {  	_ =	strace $0x9000004A  }
0xf0: {  	s0 =	stileid.u32;
	[bflag:$0x2] =	sbarrier.arrive $0xFFFF  }
0xf1: {  	p0 =	sne.s32 s0, $0x0;
	s0 =	rddreg [dreg:$0x2]  }
0xf2: {  	s0 =	sadd.s32 @!p0 $0x100000, s0  }
0xf3: {  	[sflag:s0] =	ssyncadd.tile.s32 @!p0 $0x1;
	_ =	shalt  }
.Lfunc_end2:
_tile_overlayer_lowered:
.L_overlay_start_2:
0xf4: {  	(tag) =	ssettag $0x2  }
0xf5: {  	s0 =	rddreg [dreg:$0x0];
	s2 =	stileid.u32  }
0xf6: {  	s1 =	rddreg [dreg:$0x1];
	p0 =	sne.s32 s2, $0x0  }
0xf7: {  	s3 =	rddreg [dreg:$0x2];
	[bflag:$0x3] =	sbarrier.arrive $0xFFFF;
	s2 =	simm.s32 @!p0 $0x1C07  }
0xf8: {  	[timem:s3], [sflag:s2] =	dma.local @!p0 [hbm:s0], s1  }
0xf9: {  	s0 =	simm.s32 @!p0 $0x7  }
0xfa: {  	_ =	swait.ge @!p0 [sflag:s0], s1  }
0xfb: {  	s1 =	ssub.s32 @!p0 $0x0, s1;
	[sflag:s0] =	ssyncset.done @!p0 $0x0  }
0xfc: {  	[sflag:s0] =	ssyncadd.s32 @!p0 s1  }
0xfd: {  	[bflag:$0x3] =	sbarrier.arrive $0xFFFF  }
0xfe: {  	_ =	shalt  }

</sc_bundles>
